<compile_context>
chip_gen: v7x
topology: tpu7x:2x2x1
jax: 0.10.2.dev20260603
libtpu: 0.0.44.dev20260713+nightly
codegen_flags: <defaults>
</compile_context>

<pallas_src>
import jax
import jax.numpy as jnp
from jax import lax
from jax.experimental import pallas as pl
from jax.experimental.pallas import tpu as pltpu
from jax.experimental.pallas import tpu_sc as plsc

C = 1000
D = 1000
B = 16384
W = 512
PAD = 16
WP = W + PAD
TRASH = C
CHUNK = 16
NCHUNK = 64
CB = 64
HB = 32
SPARE = 16
COL_OVL = D - W


def _body(images, labels, protos, alphas, betas, out, acc, img_buf, labs,
          lab1d, tmp1, pbuf, abuf, sbuf, bbuf, img_sem, sc_sem):
    c = lax.axis_index("c")
    s = lax.axis_index("s")
    rc = c * COL_OVL

    zeros16 = jnp.zeros((16,), jnp.float32)

    def zrow(r, carry):
        for g in range(WP // 16):
            img_buf[r, pl.ds(g * 16, 16)] = zeros16
        return carry

    lax.fori_loop(0, 2 * CHUNK, zrow, 0)
    c0z = jnp.minimum(s * CB, C - CB)
    pltpu.sync_copy(img_buf.at[pl.ds(0, HB), :], acc.at[pl.ds(c0z, HB), :])
    pltpu.sync_copy(img_buf.at[pl.ds(0, HB), :],
                    acc.at[pl.ds(c0z + HB, HB), :])
    plsc.subcore_barrier()

    onehot = jnp.where(lax.iota(jnp.int32, 16) == 0, 1.0, 0.0).astype(
        jnp.float32)

    def crow(r, carry):
        img_buf[r, pl.ds(0, 16)] = onehot
        return carry

    lax.fori_loop(0, 2 * CHUNK, crow, 0)

    base = s * (NCHUNK * CHUNK)
    pltpu.sync_copy(labels.at[pl.ds(base, NCHUNK * CHUNK)], lab1d)

    pltpu.sync_copy(images.at[pl.ds(base, CHUNK), pl.ds(rc, W)],
                    img_buf.at[pl.ds(0, CHUNK), pl.ds(PAD, W)])

    iota = lax.iota(jnp.int32, 16)

    def chunk_body(j, carry):
        b = lax.rem(j, 2) * CHUNK
        nb = lax.rem(j + 1, 2) * CHUNK

        lv = lab1d[pl.ds(j * CHUNK, 16)]
        srt_k, srt_v = plsc.sort_key_val(lv, iota)
        tmp1[pl.ds(0, 16)] = srt_k
        prev = plsc.load_gather(tmp1, [jnp.maximum(iota - 1, 0)])
        newgrp = jnp.logical_or(srt_k != prev, iota == 0)
        grp_start = plsc.cummax(jnp.where(newgrp, iota, 0))
        rank_sorted = iota - grp_start
        plsc.store_scatter(tmp1, [srt_v], rank_sorted)
        ranks = tmp1[pl.ds(0, 16)]
        maxrank = jnp.max(ranks)

        ring = lax.rem(j, 8)
        labs[ring, pl.ds(0, 16)] = jnp.where(ranks == 0, lv, TRASH)
        h1 = pltpu.async_copy(img_buf.at[pl.ds(b, CHUNK), :],
                              acc.at[labs.at[ring]], sc_sem, add=True)
        jn = jnp.minimum(j + 1, NCHUNK - 1)
        h2 = pltpu.async_copy(
            images.at[pl.ds(base + jn * CHUNK, CHUNK), pl.ds(rc, W)],
            img_buf.at[pl.ds(nb, CHUNK), pl.ds(PAD, W)], img_sem)

        @pl.when(maxrank > 0)
        def _dups():
            def round_body(k, carry2):
                labs[SPARE, pl.ds(0, 16)] = jnp.where(ranks == k, lv, TRASH)
                pltpu.sync_copy(img_buf.at[pl.ds(b, CHUNK), :],
                                acc.at[labs.at[SPARE]], add=True)
                return carry2

            lax.fori_loop(1, maxrank + 1, round_body, 0)

        h1.wait()
        h2.wait()
        return carry

    lax.fori_loop(0, NCHUNK, chunk_body, 0)
    plsc.subcore_barrier()

    c0 = jnp.minimum(s * CB, C - CB)
    zero16i = jnp.zeros((16,), jnp.int32)
    for h in range(CB // HB):
        ch = c0 + h * HB
        pltpu.sync_copy(protos.at[pl.ds(ch, HB), pl.ds(rc, W)], pbuf)
        pltpu.sync_copy(acc.at[pl.ds(ch, HB), :], abuf)
        pltpu.sync_copy(alphas.at[pl.ds(ch, HB), :], sbuf)
        pltpu.sync_copy(betas.at[pl.ds(ch, HB), :], bbuf)

        def cls_body(i, carry):
            ii = jnp.full((16,), i, jnp.int32)
            av = plsc.load_gather(sbuf, [ii, zero16i])
            bv = plsc.load_gather(bbuf, [ii, zero16i])
            cnt = plsc.load_gather(abuf, [ii, zero16i])
            pres = cnt > 0.0
            for g in range(W // 16):
                p = pbuf[i, pl.ds(g * 16, 16)]
                a = abuf[i, pl.ds(PAD + g * 16, 16)]
                u = av * p + bv * a
                pbuf[i, pl.ds(g * 16, 16)] = jnp.where(pres, u, p)
            return carry

        lax.fori_loop(0, HB, cls_body, 0)
        pltpu.sync_copy(pbuf, out.at[pl.ds(ch, HB), pl.ds(c * COL_OVL, W)])


def kernel(images, labels, prototypes, cur_class_size):
    labels = labels.astype(jnp.int32)
    denom = cur_class_size + float(B)
    alphas = cur_class_size / denom
    betas = 1.0 / denom
    mesh = plsc.VectorSubcoreMesh(core_axis_name="c", subcore_axis_name="s")
    f = pl.kernel(
        _body,
        out_type=jax.ShapeDtypeStruct((C, D), jnp.float32),
        mesh=mesh,
        compiler_params=pltpu.CompilerParams(
            use_tc_tiling_on_sc=False, needs_layout_passes=False),
        scratch_types=[
            pltpu.VMEM_SHARED((C + 8, WP), jnp.float32),
            pltpu.VMEM((2 * CHUNK, WP), jnp.float32),
            pltpu.VMEM((SPARE + 8, 16), jnp.int32),
            pltpu.VMEM((NCHUNK * CHUNK,), jnp.int32),
            pltpu.VMEM((16,), jnp.int32),
            pltpu.VMEM((HB, W), jnp.float32),
            pltpu.VMEM((HB, WP), jnp.float32),
            pltpu.VMEM((HB, 1), jnp.float32),
            pltpu.VMEM((HB, 1), jnp.float32),
            pltpu.SemaphoreType.DMA,
            pltpu.SemaphoreType.DMA,
        ],
    )
    return f(images, labels, prototypes, alphas, betas)

# --- scband reference (transcript-rebuilt; emitter-appended) ---
"""Pipeline reference for scband-protonet-64458869178544 (READ-ONLY COPY).

The authoritative reference and input builder live on the scoring server;
editing this copy changes nothing except your own understanding.
"""

import jax, jax.numpy as jnp
import numpy as np

NUM_CLASSES = 1000
EMBED_DIM = 1000
BATCH = 16384


def setup_inputs(seed: int = 0) -> dict:
    key = jax.random.key(seed)
    k1, k2, k3, k4 = jax.random.split(key, 4)
    images = jax.random.normal(k1, (BATCH, EMBED_DIM), dtype=jnp.float32)
    labels = jax.random.randint(k2, (BATCH,), 0, NUM_CLASSES)
    prototypes = jax.random.normal(k3, (NUM_CLASSES, EMBED_DIM), dtype=jnp.float32)
    cur_class_size = jax.random.uniform(k4, (NUM_CLASSES, 1), minval=0.0, maxval=100.0, dtype=jnp.float32)
    return {"images": images, "labels": labels, "prototypes": prototypes, "cur_class_size": cur_class_size}


def reference(images, labels, prototypes, cur_class_size):
    # Faithful vectorization of protonet.batch_update_prototype.
    # embedding is the identity Lambda (the module default).
    B = images.shape[0]
    emb = images  # identity embedding
    # sum of embedded samples per class (scatter-add over label index)
    class_sums = jax.ops.segment_sum(emb, labels, num_segments=NUM_CLASSES)  # [C, D]
    # mask of classes that appear in this batch (torch.unique loop only touches these)
    present = jnp.zeros((NUM_CLASSES,), dtype=jnp.float32).at[labels].set(1.0)[:, None]  # [C, 1]
    # NOTE: the original code divides by the FULL batch size images.shape[0],
    # not the per-class count; we reproduce that exactly.
    updated = (cur_class_size * prototypes + class_sums) / (cur_class_size + float(B))
    new_prototypes = jnp.where(present > 0, updated, prototypes)
    return new_prototypes

if __name__ == "__main__":
    import jax
    _d = setup_inputs()
    print(jax.jit(kernel)(*tuple(_d.values())))

</pallas_src>

<mosaic_0001>
#map = affine_map<(d0, d1) -> (0, 0)>
#map1 = affine_map<(d0, d1) -> (0)>
module attributes {stable_mosaic.version = 14 : i64} {
  func.func @_body(%arg0: i32, %arg1: i32, %arg2: memref<16384x1000xf32, #tpu.memory_space<hbm>>, %arg3: memref<16384xi32, #tpu.memory_space<hbm>>, %arg4: memref<1000x1000xf32, #tpu.memory_space<hbm>>, %arg5: memref<1000x1xf32, #tpu.memory_space<hbm>>, %arg6: memref<1000x1xf32, #tpu.memory_space<hbm>>, %arg7: memref<1000x1000xf32, #tpu.memory_space<hbm>>, %arg8: memref<1008x528xf32, #tpu.memory_space<vmem_shared>>, %arg9: memref<32x528xf32, #tpu.memory_space<vmem>>, %arg10: memref<24x16xi32, #tpu.memory_space<vmem>>, %arg11: memref<1024xi32, #tpu.memory_space<vmem>>, %arg12: memref<16xi32, #tpu.memory_space<vmem>>, %arg13: memref<32x512xf32, #tpu.memory_space<vmem>>, %arg14: memref<32x528xf32, #tpu.memory_space<vmem>>, %arg15: memref<32x1xf32, #tpu.memory_space<vmem>>, %arg16: memref<32x1xf32, #tpu.memory_space<vmem>>, %arg17: memref<!tpu.dma_semaphore, #tpu.memory_space<semaphore_mem>>, %arg18: memref<!tpu.dma_semaphore, #tpu.memory_space<semaphore_mem>>) attributes {dimension_semantics = [#tpu.dimension_semantics<core_parallel>, #tpu.dimension_semantics<subcore_parallel>], iteration_bounds = array<i64: 2, 16>, scalar_prefetch = 0 : i64, scratch_operands = 11 : i64, tpu.core_type = #tpu.core_type<sc_vector_subcore>, window_params = [{transform_indices = #map}, {transform_indices = #map1}, {transform_indices = #map}, {transform_indices = #map}, {transform_indices = #map}, {transform_indices = #map}]} {
    %mul3A = arith.constant 488 : i32
    %mul3A_0 = arith.muli %arg0, %mul3A : i32
    %broadcast_in_dim3A = arith.constant 0.000000e+00 : f32
    %broadcast_in_dim3A_1 = vector.broadcast %broadcast_in_dim3A : f32 to vector<16xf32>
    %scan3A = arith.constant 0 : i32
    %scan3A_2 = arith.constant 0 : i32
    %scan3A_3 = arith.constant 32 : i32
    %scan3A_4 = arith.addi %scan3A_2, %scan3A_3 : i32
    %scan3A_5 = arith.constant 1 : i32
    scf.for %scan3A_58 = %scan3A_2 to %scan3A_4 step %scan3A_5  : i32 {
      %swap3A = arith.index_cast %scan3A_58 : i32 to index
      %swap3A_59 = arith.constant 0 : index
      %swap3A_60 = tpu.vector_load %arg9[%swap3A, %swap3A_59] {strides = array<i32>} : memref<32x528xf32, #tpu.memory_space<vmem>>, vector<16xf32>,
      tpu.vector_store %arg9[%swap3A, %swap3A_59], %broadcast_in_dim3A_1 {strides = array<i32>} : memref<32x528xf32, #tpu.memory_space<vmem>>, vector<16xf32>,
      %swap3A_61 = arith.index_cast %scan3A_58 : i32 to index
      %swap3A_62 = arith.constant 16 : index
      %swap3A_63 = tpu.vector_load %arg9[%swap3A_61, %swap3A_62] {strides = array<i32>} : memref<32x528xf32, #tpu.memory_space<vmem>>, vector<16xf32>,
      tpu.vector_store %arg9[%swap3A_61, %swap3A_62], %broadcast_in_dim3A_1 {strides = array<i32>} : memref<32x528xf32, #tpu.memory_space<vmem>>, vector<16xf32>,
      %swap3A_64 = arith.index_cast %scan3A_58 : i32 to index
      %swap3A_65 = arith.constant 32 : index
      %swap3A_66 = tpu.vector_load %arg9[%swap3A_64, %swap3A_65] {strides = array<i32>} : memref<32x528xf32, #tpu.memory_space<vmem>>, vector<16xf32>,
      tpu.vector_store %arg9[%swap3A_64, %swap3A_65], %broadcast_in_dim3A_1 {strides = array<i32>} : memref<32x528xf32, #tpu.memory_space<vmem>>, vector<16xf32>,
      %swap3A_67 = arith.index_cast %scan3A_58 : i32 to index
      %swap3A_68 = arith.constant 48 : index
      %swap3A_69 = tpu.vector_load %arg9[%swap3A_67, %swap3A_68] {strides = array<i32>} : memref<32x528xf32, #tpu.memory_space<vmem>>, vector<16xf32>,
      tpu.vector_store %arg9[%swap3A_67, %swap3A_68], %broadcast_in_dim3A_1 {strides = array<i32>} : memref<32x528xf32, #tpu.memory_space<vmem>>, vector<16xf32>,
      %swap3A_70 = arith.index_cast %scan3A_58 : i32 to index
      %swap3A_71 = arith.constant 64 : index
      %swap3A_72 = tpu.vector_load %arg9[%swap3A_70, %swap3A_71] {strides = array<i32>} : memref<32x528xf32, #tpu.memory_space<vmem>>, vector<16xf32>,
      tpu.vector_store %arg9[%swap3A_70, %swap3A_71], %broadcast_in_dim3A_1 {strides = array<i32>} : memref<32x528xf32, #tpu.memory_space<vmem>>, vector<16xf32>,
      %swap3A_73 = arith.index_cast %scan3A_58 : i32 to index
      %swap3A_74 = arith.constant 80 : index
      %swap3A_75 = tpu.vector_load %arg9[%swap3A_73, %swap3A_74] {strides = array<i32>} : memref<32x528xf32, #tpu.memory_space<vmem>>, vector<16xf32>,
      tpu.vector_store %arg9[%swap3A_73, %swap3A_74], %broadcast_in_dim3A_1 {strides = array<i32>} : memref<32x528xf32, #tpu.memory_space<vmem>>, vector<16xf32>,
      %swap3A_76 = arith.index_cast %scan3A_58 : i32 to index
      %swap3A_77 = arith.constant 96 : index
      %swap3A_78 = tpu.vector_load %arg9[%swap3A_76, %swap3A_77] {strides = array<i32>} : memref<32x528xf32, #tpu.memory_space<vmem>>, vector<16xf32>,
      tpu.vector_store %arg9[%swap3A_76, %swap3A_77], %broadcast_in_dim3A_1 {strides = array<i32>} : memref<32x528xf32, #tpu.memory_space<vmem>>, vector<16xf32>,
      %swap3A_79 = arith.index_cast %scan3A_58 : i32 to index
      %swap3A_80 = arith.constant 112 : index
      %swap3A_81 = tpu.vector_load %arg9[%swap3A_79, %swap3A_80] {strides = array<i32>} : memref<32x528xf32, #tpu.memory_space<vmem>>, vector<16xf32>,
      tpu.vector_store %arg9[%swap3A_79, %swap3A_80], %broadcast_in_dim3A_1 {strides = array<i32>} : memref<32x528xf32, #tpu.memory_space<vmem>>, vector<16xf32>,
      %swap3A_82 = arith.index_cast %scan3A_58 : i32 to index
      %swap3A_83 = arith.constant 128 : index
      %swap3A_84 = tpu.vector_load %arg9[%swap3A_82, %swap3A_83] {strides = array<i32>} : memref<32x528xf32, #tpu.memory_space<vmem>>, vector<16xf32>,
      tpu.vector_store %arg9[%swap3A_82, %swap3A_83], %broadcast_in_dim3A_1 {strides = array<i32>} : memref<32x528xf32, #tpu.memory_space<vmem>>, vector<16xf32>,
      %swap3A_85 = arith.index_cast %scan3A_58 : i32 to index
      %swap3A_86 = arith.constant 144 : index
      %swap3A_87 = tpu.vector_load %arg9[%swap3A_85, %swap3A_86] {strides = array<i32>} : memref<32x528xf32, #tpu.memory_space<vmem>>, vector<16xf32>,
      tpu.vector_store %arg9[%swap3A_85, %swap3A_86], %broadcast_in_dim3A_1 {strides = array<i32>} : memref<32x528xf32, #tpu.memory_space<vmem>>, vector<16xf32>,
      %swap3A_88 = arith.index_cast %scan3A_58 : i32 to index
      %swap3A_89 = arith.constant 160 : index
      %swap3A_90 = tpu.vector_load %arg9[%swap3A_88, %swap3A_89] {strides = array<i32>} : memref<32x528xf32, #tpu.memory_space<vmem>>, vector<16xf32>,
      tpu.vector_store %arg9[%swap3A_88, %swap3A_89], %broadcast_in_dim3A_1 {strides = array<i32>} : memref<32x528xf32, #tpu.memory_space<vmem>>, vector<16xf32>,
      %swap3A_91 = arith.index_cast %scan3A_58 : i32 to index
      %swap3A_92 = arith.constant 176 : index
      %swap3A_93 = tpu.vector_load %arg9[%swap3A_91, %swap3A_92] {strides = array<i32>} : memref<32x528xf32, #tpu.memory_space<vmem>>, vector<16xf32>,
      tpu.vector_store %arg9[%swap3A_91, %swap3A_92], %broadcast_in_dim3A_1 {strides = array<i32>} : memref<32x528xf32, #tpu.memory_space<vmem>>, vector<16xf32>,
      %swap3A_94 = arith.index_cast %scan3A_58 : i32 to index
      %swap3A_95 = arith.constant 192 : index
      %swap3A_96 = tpu.vector_load %arg9[%swap3A_94, %swap3A_95] {strides = array<i32>} : memref<32x528xf32, #tpu.memory_space<vmem>>, vector<16xf32>,
      tpu.vector_store %arg9[%swap3A_94, %swap3A_95], %broadcast_in_dim3A_1 {strides = array<i32>} : memref<32x528xf32, #tpu.memory_space<vmem>>, vector<16xf32>,
      %swap3A_97 = arith.index_cast %scan3A_58 : i32 to index
      %swap3A_98 = arith.constant 208 : index
      %swap3A_99 = tpu.vector_load %arg9[%swap3A_97, %swap3A_98] {strides = array<i32>} : memref<32x528xf32, #tpu.memory_space<vmem>>, vector<16xf32>,
      tpu.vector_store %arg9[%swap3A_97, %swap3A_98], %broadcast_in_dim3A_1 {strides = array<i32>} : memref<32x528xf32, #tpu.memory_space<vmem>>, vector<16xf32>,
      %swap3A_100 = arith.index_cast %scan3A_58 : i32 to index
      %swap3A_101 = arith.constant 224 : index
      %swap3A_102 = tpu.vector_load %arg9[%swap3A_100, %swap3A_101] {strides = array<i32>} : memref<32x528xf32, #tpu.memory_space<vmem>>, vector<16xf32>,
      tpu.vector_store %arg9[%swap3A_100, %swap3A_101], %broadcast_in_dim3A_1 {strides = array<i32>} : memref<32x528xf32, #tpu.memory_space<vmem>>, vector<16xf32>,
      %swap3A_103 = arith.index_cast %scan3A_58 : i32 to index
      %swap3A_104 = arith.constant 240 : index
      %swap3A_105 = tpu.vector_load %arg9[%swap3A_103, %swap3A_104] {strides = array<i32>} : memref<32x528xf32, #tpu.memory_space<vmem>>, vector<16xf32>,
      tpu.vector_store %arg9[%swap3A_103, %swap3A_104], %broadcast_in_dim3A_1 {strides = array<i32>} : memref<32x528xf32, #tpu.memory_space<vmem>>, vector<16xf32>,
      %swap3A_106 = arith.index_cast %scan3A_58 : i32 to index
      %swap3A_107 = arith.constant 256 : index
      %swap3A_108 = tpu.vector_load %arg9[%swap3A_106, %swap3A_107] {strides = array<i32>} : memref<32x528xf32, #tpu.memory_space<vmem>>, vector<16xf32>,
      tpu.vector_store %arg9[%swap3A_106, %swap3A_107], %broadcast_in_dim3A_1 {strides = array<i32>} : memref<32x528xf32, #tpu.memory_space<vmem>>, vector<16xf32>,
      %swap3A_109 = arith.index_cast %scan3A_58 : i32 to index
      %swap3A_110 = arith.constant 272 : index
      %swap3A_111 = tpu.vector_load %arg9[%swap3A_109, %swap3A_110] {strides = array<i32>} : memref<32x528xf32, #tpu.memory_space<vmem>>, vector<16xf32>,
      tpu.vector_store %arg9[%swap3A_109, %swap3A_110], %broadcast_in_dim3A_1 {strides = array<i32>} : memref<32x528xf32, #tpu.memory_space<vmem>>, vector<16xf32>,
      %swap3A_112 = arith.index_cast %scan3A_58 : i32 to index
      %swap3A_113 = arith.constant 288 : index
      %swap3A_114 = tpu.vector_load %arg9[%swap3A_112, %swap3A_113] {strides = array<i32>} : memref<32x528xf32, #tpu.memory_space<vmem>>, vector<16xf32>,
      tpu.vector_store %arg9[%swap3A_112, %swap3A_113], %broadcast_in_dim3A_1 {strides = array<i32>} : memref<32x528xf32, #tpu.memory_space<vmem>>, vector<16xf32>,
      %swap3A_115 = arith.index_cast %scan3A_58 : i32 to index
      %swap3A_116 = arith.constant 304 : index
      %swap3A_117 = tpu.vector_load %arg9[%swap3A_115, %swap3A_116] {strides = array<i32>} : memref<32x528xf32, #tpu.memory_space<vmem>>, vector<16xf32>,
      tpu.vector_store %arg9[%swap3A_115, %swap3A_116], %broadcast_in_dim3A_1 {strides = array<i32>} : memref<32x528xf32, #tpu.memory_space<vmem>>, vector<16xf32>,
      %swap3A_118 = arith.index_cast %scan3A_58 : i32 to index
      %swap3A_119 = arith.constant 320 : index
      %swap3A_120 = tpu.vector_load %arg9[%swap3A_118, %swap3A_119] {strides = array<i32>} : memref<32x528xf32, #tpu.memory_space<vmem>>, vector<16xf32>,
      tpu.vector_store %arg9[%swap3A_118, %swap3A_119], %broadcast_in_dim3A_1 {strides = array<i32>} : memref<32x528xf32, #tpu.memory_space<vmem>>, vector<16xf32>,
      %swap3A_121 = arith.index_cast %scan3A_58 : i32 to index
      %swap3A_122 = arith.constant 336 : index
      %swap3A_123 = tpu.vector_load %arg9[%swap3A_121, %swap3A_122] {strides = array<i32>} : memref<32x528xf32, #tpu.memory_space<vmem>>, vector<16xf32>,
      tpu.vector_store %arg9[%swap3A_121, %swap3A_122], %broadcast_in_dim3A_1 {strides = array<i32>} : memref<32x528xf32, #tpu.memory_space<vmem>>, vector<16xf32>,
      %swap3A_124 = arith.index_cast %scan3A_58 : i32 to index
      %swap3A_125 = arith.constant 352 : index
      %swap3A_126 = tpu.vector_load %arg9[%swap3A_124, %swap3A_125] {strides = array<i32>} : memref<32x528xf32, #tpu.memory_space<vmem>>, vector<16xf32>,
      tpu.vector_store %arg9[%swap3A_124, %swap3A_125], %broadcast_in_dim3A_1 {strides = array<i32>} : memref<32x528xf32, #tpu.memory_space<vmem>>, vector<16xf32>,
      %swap3A_127 = arith.index_cast %scan3A_58 : i32 to index
      %swap3A_128 = arith.constant 368 : index
      %swap3A_129 = tpu.vector_load %arg9[%swap3A_127, %swap3A_128] {strides = array<i32>} : memref<32x528xf32, #tpu.memory_space<vmem>>, vector<16xf32>,
      tpu.vector_store %arg9[%swap3A_127, %swap3A_128], %broadcast_in_dim3A_1 {strides = array<i32>} : memref<32x528xf32, #tpu.memory_space<vmem>>, vector<16xf32>,
      %swap3A_130 = arith.index_cast %scan3A_58 : i32 to index
      %swap3A_131 = arith.constant 384 : index
      %swap3A_132 = tpu.vector_load %arg9[%swap3A_130, %swap3A_131] {strides = array<i32>} : memref<32x528xf32, #tpu.memory_space<vmem>>, vector<16xf32>,
      tpu.vector_store %arg9[%swap3A_130, %swap3A_131], %broadcast_in_dim3A_1 {strides = array<i32>} : memref<32x528xf32, #tpu.memory_space<vmem>>, vector<16xf32>,
      %swap3A_133 = arith.index_cast %scan3A_58 : i32 to index
      %swap3A_134 = arith.constant 400 : index
      %swap3A_135 = tpu.vector_load %arg9[%swap3A_133, %swap3A_134] {strides = array<i32>} : memref<32x528xf32, #tpu.memory_space<vmem>>, vector<16xf32>,
      tpu.vector_store %arg9[%swap3A_133, %swap3A_134], %broadcast_in_dim3A_1 {strides = array<i32>} : memref<32x528xf32, #tpu.memory_space<vmem>>, vector<16xf32>,
      %swap3A_136 = arith.index_cast %scan3A_58 : i32 to index
      %swap3A_137 = arith.constant 416 : index
      %swap3A_138 = tpu.vector_load %arg9[%swap3A_136, %swap3A_137] {strides = array<i32>} : memref<32x528xf32, #tpu.memory_space<vmem>>, vector<16xf32>,
      tpu.vector_store %arg9[%swap3A_136, %swap3A_137], %broadcast_in_dim3A_1 {strides = array<i32>} : memref<32x528xf32, #tpu.memory_space<vmem>>, vector<16xf32>,
      %swap3A_139 = arith.index_cast %scan3A_58 : i32 to index
      %swap3A_140 = arith.constant 432 : index
      %swap3A_141 = tpu.vector_load %arg9[%swap3A_139, %swap3A_140] {strides = array<i32>} : memref<32x528xf32, #tpu.memory_space<vmem>>, vector<16xf32>,
      tpu.vector_store %arg9[%swap3A_139, %swap3A_140], %broadcast_in_dim3A_1 {strides = array<i32>} : memref<32x528xf32, #tpu.memory_space<vmem>>, vector<16xf32>,
      %swap3A_142 = arith.index_cast %scan3A_58 : i32 to index
      %swap3A_143 = arith.constant 448 : index
      %swap3A_144 = tpu.vector_load %arg9[%swap3A_142, %swap3A_143] {strides = array<i32>} : memref<32x528xf32, #tpu.memory_space<vmem>>, vector<16xf32>,
      tpu.vector_store %arg9[%swap3A_142, %swap3A_143], %broadcast_in_dim3A_1 {strides = array<i32>} : memref<32x528xf32, #tpu.memory_space<vmem>>, vector<16xf32>,
      %swap3A_145 = arith.index_cast %scan3A_58 : i32 to index
      %swap3A_146 = arith.constant 464 : index
      %swap3A_147 = tpu.vector_load %arg9[%swap3A_145, %swap3A_146] {strides = array<i32>} : memref<32x528xf32, #tpu.memory_space<vmem>>, vector<16xf32>,
      tpu.vector_store %arg9[%swap3A_145, %swap3A_146], %broadcast_in_dim3A_1 {strides = array<i32>} : memref<32x528xf32, #tpu.memory_space<vmem>>, vector<16xf32>,
      %swap3A_148 = arith.index_cast %scan3A_58 : i32 to index
      %swap3A_149 = arith.constant 480 : index
      %swap3A_150 = tpu.vector_load %arg9[%swap3A_148, %swap3A_149] {strides = array<i32>} : memref<32x528xf32, #tpu.memory_space<vmem>>, vector<16xf32>,
      tpu.vector_store %arg9[%swap3A_148, %swap3A_149], %broadcast_in_dim3A_1 {strides = array<i32>} : memref<32x528xf32, #tpu.memory_space<vmem>>, vector<16xf32>,
      %swap3A_151 = arith.index_cast %scan3A_58 : i32 to index
      %swap3A_152 = arith.constant 496 : index
      %swap3A_153 = tpu.vector_load %arg9[%swap3A_151, %swap3A_152] {strides = array<i32>} : memref<32x528xf32, #tpu.memory_space<vmem>>, vector<16xf32>,
      tpu.vector_store %arg9[%swap3A_151, %swap3A_152], %broadcast_in_dim3A_1 {strides = array<i32>} : memref<32x528xf32, #tpu.memory_space<vmem>>, vector<16xf32>,
      %swap3A_154 = arith.index_cast %scan3A_58 : i32 to index
      %swap3A_155 = arith.constant 512 : index
      %swap3A_156 = tpu.vector_load %arg9[%swap3A_154, %swap3A_155] {strides = array<i32>} : memref<32x528xf32, #tpu.memory_space<vmem>>, vector<16xf32>,
      tpu.vector_store %arg9[%swap3A_154, %swap3A_155], %broadcast_in_dim3A_1 {strides = array<i32>} : memref<32x528xf32, #tpu.memory_space<vmem>>, vector<16xf32>,
    }
    %scan3A_6 = arith.constant 32 : i32
    %mul3A_7 = arith.constant 64 : i32
    %mul3A_8 = arith.muli %arg1, %mul3A_7 : i32
    %min3A = arith.constant 936 : i32
    %min3A_9 = arith.minsi %mul3A_8, %min3A : i32
    "tpu.region"() ({
      %run_scoped3A = tpu.sem_alloc : memref<!tpu.dma_semaphore, #tpu.memory_space<semaphore_mem>>
      %dma_start3A = arith.constant 0 : i32
      %dma_start3A_58 = arith.constant 0 : i32
      %dma_start3A_59 = tpu.memref_slice %arg9[%dma_start3A, %dma_start3A_58] : memref<32x528xf32, #tpu.memory_space<vmem>> -> memref<32x528xf32, #tpu.memory_space<vmem>>
      %dma_start3A_60 = arith.constant 0 : i32
      %dma_start3A_61 = tpu.memref_slice %arg8[%min3A_9, %dma_start3A_60] : memref<1008x528xf32, #tpu.memory_space<vmem_shared>> -> memref<32x528xf32, #tpu.memory_space<vmem_shared>>
      %dma_start3A_62 = arith.constant 0 : i32
      %dma_start3A_63 = tpu.memref_slice %arg8[%min3A_9, %dma_start3A_62] : memref<1008x528xf32, #tpu.memory_space<vmem_shared>> -> memref<32x528xf32, #tpu.memory_space<vmem_shared>>
      %dma_start3A_64 = arith.constant 0 : i32
      %dma_start3A_65 = arith.constant 0 : i32
      %dma_start3A_66 = tpu.memref_slice %arg9[%dma_start3A_64, %dma_start3A_65] : memref<32x528xf32, #tpu.memory_space<vmem>> -> memref<32x528xf32, #tpu.memory_space<vmem>>
      tpu.enqueue_dma source(%dma_start3A_66 : memref<32x528xf32, #tpu.memory_space<vmem>>) target(%dma_start3A_63 : memref<32x528xf32, #tpu.memory_space<vmem_shared>>) target_semaphore(%run_scoped3A : memref<!tpu.dma_semaphore, #tpu.memory_space<semaphore_mem>>)
      %dma_wait3A = arith.constant 0 : i32
      %dma_wait3A_67 = arith.constant 0 : i32
      %dma_wait3A_68 = tpu.memref_slice %arg9[%dma_wait3A, %dma_wait3A_67] : memref<32x528xf32, #tpu.memory_space<vmem>> -> memref<32x528xf32, #tpu.memory_space<vmem>>
      %dma_wait3A_69 = arith.constant 0 : i32
      %dma_wait3A_70 = tpu.memref_slice %arg8[%min3A_9, %dma_wait3A_69] : memref<1008x528xf32, #tpu.memory_space<vmem_shared>> -> memref<32x528xf32, #tpu.memory_space<vmem_shared>>
      %dma_wait3A_71 = arith.constant 0 : i32
      %dma_wait3A_72 = tpu.memref_slice %arg8[%min3A_9, %dma_wait3A_71] : memref<1008x528xf32, #tpu.memory_space<vmem_shared>> -> memref<32x528xf32, #tpu.memory_space<vmem_shared>>
      %dma_wait3A_73 = arith.constant 0 : i32
      %dma_wait3A_74 = arith.constant 0 : i32
      %dma_wait3A_75 = tpu.memref_slice %arg9[%dma_wait3A_73, %dma_wait3A_74] : memref<32x528xf32, #tpu.memory_space<vmem>> -> memref<32x528xf32, #tpu.memory_space<vmem>>
      tpu.wait_dma2 semaphore(%run_scoped3A : memref<!tpu.dma_semaphore, #tpu.memory_space<semaphore_mem>>) src(%dma_wait3A_75 : memref<32x528xf32, #tpu.memory_space<vmem>>) dst(%dma_wait3A_72 : memref<32x528xf32, #tpu.memory_space<vmem_shared>>)
      tpu.yield
    }) : () -> ()
    %add3A = arith.constant 32 : i32
    %add3A_10 = arith.addi %min3A_9, %add3A : i32
    "tpu.region"() ({
      %run_scoped3A = tpu.sem_alloc : memref<!tpu.dma_semaphore, #tpu.memory_space<semaphore_mem>>
      %dma_start3A = arith.constant 0 : i32
      %dma_start3A_58 = arith.constant 0 : i32
      %dma_start3A_59 = tpu.memref_slice %arg9[%dma_start3A, %dma_start3A_58] : memref<32x528xf32, #tpu.memory_space<vmem>> -> memref<32x528xf32, #tpu.memory_space<vmem>>
      %dma_start3A_60 = arith.constant 0 : i32
      %dma_start3A_61 = tpu.memref_slice %arg8[%add3A_10, %dma_start3A_60] : memref<1008x528xf32, #tpu.memory_space<vmem_shared>> -> memref<32x528xf32, #tpu.memory_space<vmem_shared>>
      %dma_start3A_62 = arith.constant 0 : i32
      %dma_start3A_63 = tpu.memref_slice %arg8[%add3A_10, %dma_start3A_62] : memref<1008x528xf32, #tpu.memory_space<vmem_shared>> -> memref<32x528xf32, #tpu.memory_space<vmem_shared>>
      %dma_start3A_64 = arith.constant 0 : i32
      %dma_start3A_65 = arith.constant 0 : i32
      %dma_start3A_66 = tpu.memref_slice %arg9[%dma_start3A_64, %dma_start3A_65] : memref<32x528xf32, #tpu.memory_space<vmem>> -> memref<32x528xf32, #tpu.memory_space<vmem>>
      tpu.enqueue_dma source(%dma_start3A_66 : memref<32x528xf32, #tpu.memory_space<vmem>>) target(%dma_start3A_63 : memref<32x528xf32, #tpu.memory_space<vmem_shared>>) target_semaphore(%run_scoped3A : memref<!tpu.dma_semaphore, #tpu.memory_space<semaphore_mem>>)
      %dma_wait3A = arith.constant 0 : i32
      %dma_wait3A_67 = arith.constant 0 : i32
      %dma_wait3A_68 = tpu.memref_slice %arg9[%dma_wait3A, %dma_wait3A_67] : memref<32x528xf32, #tpu.memory_space<vmem>> -> memref<32x528xf32, #tpu.memory_space<vmem>>
      %dma_wait3A_69 = arith.constant 0 : i32
      %dma_wait3A_70 = tpu.memref_slice %arg8[%add3A_10, %dma_wait3A_69] : memref<1008x528xf32, #tpu.memory_space<vmem_shared>> -> memref<32x528xf32, #tpu.memory_space<vmem_shared>>
      %dma_wait3A_71 = arith.constant 0 : i32
      %dma_wait3A_72 = tpu.memref_slice %arg8[%add3A_10, %dma_wait3A_71] : memref<1008x528xf32, #tpu.memory_space<vmem_shared>> -> memref<32x528xf32, #tpu.memory_space<vmem_shared>>
      %dma_wait3A_73 = arith.constant 0 : i32
      %dma_wait3A_74 = arith.constant 0 : i32
      %dma_wait3A_75 = tpu.memref_slice %arg9[%dma_wait3A_73, %dma_wait3A_74] : memref<32x528xf32, #tpu.memory_space<vmem>> -> memref<32x528xf32, #tpu.memory_space<vmem>>
      tpu.wait_dma2 semaphore(%run_scoped3A : memref<!tpu.dma_semaphore, #tpu.memory_space<semaphore_mem>>) src(%dma_wait3A_75 : memref<32x528xf32, #tpu.memory_space<vmem>>) dst(%dma_wait3A_72 : memref<32x528xf32, #tpu.memory_space<vmem_shared>>)
      tpu.yield
    }) : () -> ()
    %barrier3A = arith.constant 0 : index
    tpu.barrier barrier_id(%barrier3A)
    %iota3A = tpu.iota {dimensions = array<i32: 0>} : vector<16xi32>
    %eq3A = arith.constant 0 : i32
    %eq3A_11 = vector.broadcast %eq3A : i32 to vector<16xi32>
    %eq3A_12 = arith.cmpi eq, %iota3A, %eq3A_11 : vector<16xi32>
    %jit3A = arith.constant 1.000000e+00 : f32
    %jit3A_13 = arith.constant 0.000000e+00 : f32
    %broadcast_in_dim3A_14 = vector.broadcast %jit3A : f32 to vector<16xf32>
    %broadcast_in_dim3A_15 = vector.broadcast %jit3A_13 : f32 to vector<16xf32>
    %select_n3A = arith.select %eq3A_12, %broadcast_in_dim3A_14, %broadcast_in_dim3A_15 : vector<16xi1>, vector<16xf32>
    %scan3A_16 = arith.constant 0 : i32
    %scan3A_17 = arith.constant 0 : i32
    %scan3A_18 = arith.constant 32 : i32
    %scan3A_19 = arith.addi %scan3A_17, %scan3A_18 : i32
    %scan3A_20 = arith.constant 1 : i32
    scf.for %scan3A_58 = %scan3A_17 to %scan3A_19 step %scan3A_20  : i32 {
      %swap3A = arith.index_cast %scan3A_58 : i32 to index
      %swap3A_59 = arith.constant 0 : index
      %swap3A_60 = tpu.vector_load %arg9[%swap3A, %swap3A_59] {strides = array<i32>} : memref<32x528xf32, #tpu.memory_space<vmem>>, vector<16xf32>,
      tpu.vector_store %arg9[%swap3A, %swap3A_59], %select_n3A {strides = array<i32>} : memref<32x528xf32, #tpu.memory_space<vmem>>, vector<16xf32>,
    }
    %scan3A_21 = arith.constant 32 : i32
    %mul3A_22 = arith.constant 1024 : i32
    %mul3A_23 = arith.muli %arg1, %mul3A_22 : i32
    "tpu.region"() ({
      %run_scoped3A = tpu.sem_alloc : memref<!tpu.dma_semaphore, #tpu.memory_space<semaphore_mem>>
      %dma_start3A = tpu.memref_slice %arg3[%mul3A_23] : memref<16384xi32, #tpu.memory_space<hbm>> -> memref<1024xi32, #tpu.memory_space<hbm>>
      %dma_start3A_58 = tpu.memref_slice %arg3[%mul3A_23] : memref<16384xi32, #tpu.memory_space<hbm>> -> memref<1024xi32, #tpu.memory_space<hbm>>
      tpu.enqueue_dma source(%dma_start3A_58 : memref<1024xi32, #tpu.memory_space<hbm>>) target(%arg11 : memref<1024xi32, #tpu.memory_space<vmem>>) target_semaphore(%run_scoped3A : memref<!tpu.dma_semaphore, #tpu.memory_space<semaphore_mem>>)
      %dma_wait3A = tpu.memref_slice %arg3[%mul3A_23] : memref<16384xi32, #tpu.memory_space<hbm>> -> memref<1024xi32, #tpu.memory_space<hbm>>
      %dma_wait3A_59 = tpu.memref_slice %arg3[%mul3A_23] : memref<16384xi32, #tpu.memory_space<hbm>> -> memref<1024xi32, #tpu.memory_space<hbm>>
      tpu.wait_dma2 semaphore(%run_scoped3A : memref<!tpu.dma_semaphore, #tpu.memory_space<semaphore_mem>>) src(%dma_wait3A_59 : memref<1024xi32, #tpu.memory_space<hbm>>) dst(%arg11 : memref<1024xi32, #tpu.memory_space<vmem>>)
      tpu.yield
    }) : () -> ()
    "tpu.region"() ({
      %run_scoped3A = tpu.sem_alloc : memref<!tpu.dma_semaphore, #tpu.memory_space<semaphore_mem>>
      %dma_start3A = arith.constant 0 : i32
      %dma_start3A_58 = arith.constant 16 : i32
      %dma_start3A_59 = tpu.memref_slice %arg9[%dma_start3A, %dma_start3A_58] : memref<32x528xf32, #tpu.memory_space<vmem>> -> memref<16x512xf32, #tpu.memory_space<vmem>>
      %dma_start3A_60 = tpu.memref_slice %arg2[%mul3A_23, %mul3A_0] : memref<16384x1000xf32, #tpu.memory_space<hbm>> -> memref<16x512xf32, #tpu.memory_space<hbm>>
      %dma_start3A_61 = arith.constant 0 : i32
      %dma_start3A_62 = arith.constant 16 : i32
      %dma_start3A_63 = tpu.memref_slice %arg9[%dma_start3A_61, %dma_start3A_62] : memref<32x528xf32, #tpu.memory_space<vmem>> -> memref<16x512xf32, #tpu.memory_space<vmem>>
      %dma_start3A_64 = tpu.memref_slice %arg2[%mul3A_23, %mul3A_0] : memref<16384x1000xf32, #tpu.memory_space<hbm>> -> memref<16x512xf32, #tpu.memory_space<hbm>>
      tpu.enqueue_dma source(%dma_start3A_64 : memref<16x512xf32, #tpu.memory_space<hbm>>) target(%dma_start3A_63 : memref<16x512xf32, #tpu.memory_space<vmem>>) target_semaphore(%run_scoped3A : memref<!tpu.dma_semaphore, #tpu.memory_space<semaphore_mem>>)
      %dma_wait3A = arith.constant 0 : i32
      %dma_wait3A_65 = arith.constant 16 : i32
      %dma_wait3A_66 = tpu.memref_slice %arg9[%dma_wait3A, %dma_wait3A_65] : memref<32x528xf32, #tpu.memory_space<vmem>> -> memref<16x512xf32, #tpu.memory_space<vmem>>
      %dma_wait3A_67 = tpu.memref_slice %arg2[%mul3A_23, %mul3A_0] : memref<16384x1000xf32, #tpu.memory_space<hbm>> -> memref<16x512xf32, #tpu.memory_space<hbm>>
      %dma_wait3A_68 = arith.constant 0 : i32
      %dma_wait3A_69 = arith.constant 16 : i32
      %dma_wait3A_70 = tpu.memref_slice %arg9[%dma_wait3A_68, %dma_wait3A_69] : memref<32x528xf32, #tpu.memory_space<vmem>> -> memref<16x512xf32, #tpu.memory_space<vmem>>
      %dma_wait3A_71 = tpu.memref_slice %arg2[%mul3A_23, %mul3A_0] : memref<16384x1000xf32, #tpu.memory_space<hbm>> -> memref<16x512xf32, #tpu.memory_space<hbm>>
      tpu.wait_dma2 semaphore(%run_scoped3A : memref<!tpu.dma_semaphore, #tpu.memory_space<semaphore_mem>>) src(%dma_wait3A_71 : memref<16x512xf32, #tpu.memory_space<hbm>>) dst(%dma_wait3A_70 : memref<16x512xf32, #tpu.memory_space<vmem>>)
      tpu.yield
    }) : () -> ()
    %iota3A_24 = tpu.iota {dimensions = array<i32: 0>} : vector<16xi32>
    %scan3A_25 = arith.constant 0 : i32
    %scan3A_26 = arith.constant 0 : i32
    %scan3A_27 = arith.constant 64 : i32
    %scan3A_28 = arith.addi %scan3A_26, %scan3A_27 : i32
    %scan3A_29 = arith.constant 1 : i32
    scf.for %scan3A_58 = %scan3A_26 to %scan3A_28 step %scan3A_29  : i32 {
      %rem3A = arith.constant 2 : i32
      %rem3A_59 = arith.remsi %scan3A_58, %rem3A : i32
      %mul3A_60 = arith.constant 16 : i32
      %mul3A_61 = arith.muli %rem3A_59, %mul3A_60 : i32
      %add3A_62 = arith.constant 1 : i32
      %add3A_63 = arith.addi %scan3A_58, %add3A_62 : i32
      %rem3A_64 = arith.constant 2 : i32
      %rem3A_65 = arith.remsi %add3A_63, %rem3A_64 : i32
      %mul3A_66 = arith.constant 16 : i32
      %mul3A_67 = arith.muli %rem3A_65, %mul3A_66 : i32
      %mul3A_68 = arith.constant 16 : i32
      %mul3A_69 = arith.muli %scan3A_58, %mul3A_68 : i32
      %get3A = arith.index_cast %mul3A_69 : i32 to index
      %get3A_70 = tpu.vector_load %arg11[%get3A] {strides = array<i32>} : memref<1024xi32, #tpu.memory_space<vmem>>, vector<16xi32>,
      %masked_sort3A = arith.constant dense<true> : vector<16xi1>
      %masked_sort3A_71 = arith.constant -2147483648 : i32
      %masked_sort3A_72 = vector.broadcast %masked_sort3A_71 : i32 to vector<16xi32>
      %masked_sort3A_73 = arith.xori %get3A_70, %masked_sort3A_72 : vector<16xi32>
      %masked_sort3A_74, %masked_sort3A_75, %masked_sort3A_76 = tpu.sort %masked_sort3A_73, %iota3A_24 masked %masked_sort3A : (vector<16xi32>, vector<16xi32>, vector<16xi1>) -> (vector<16xi1>, vector<16xi32>, vector<16xi32>)
      %masked_sort3A_77 = arith.xori %masked_sort3A_75, %masked_sort3A_72 : vector<16xi32>
      %swap3A = arith.constant 0 : index
      %swap3A_78 = tpu.vector_load %arg12[%swap3A] {strides = array<i32>} : memref<16xi32, #tpu.memory_space<vmem>>, vector<16xi32>,
      tpu.vector_store %arg12[%swap3A], %masked_sort3A_77 {strides = array<i32>} : memref<16xi32, #tpu.memory_space<vmem>>, vector<16xi32>,
      %sub3A = arith.constant 1 : i32
      %sub3A_79 = vector.broadcast %sub3A : i32 to vector<16xi32>
      %sub3A_80 = arith.subi %iota3A_24, %sub3A_79 : vector<16xi32>
      %max3A = arith.constant 0 : i32
      %max3A_81 = vector.broadcast %max3A : i32 to vector<16xi32>
      %max3A_82 = arith.maxsi %sub3A_80, %max3A_81 : vector<16xi32>
      %gather3A = tpu.vector_load_idx %arg12[%max3A_82] : memref<16xi32, #tpu.memory_space<vmem>>[vector<16xi32>], vector<16xi32>,
      %ne3A = arith.cmpi ne, %masked_sort3A_77, %gather3A : vector<16xi32>
      %eq3A_83 = arith.constant 0 : i32
      %eq3A_84 = vector.broadcast %eq3A_83 : i32 to vector<16xi32>
      %eq3A_85 = arith.cmpi eq, %iota3A_24, %eq3A_84 : vector<16xi32>
      %or3A = arith.ori %ne3A, %eq3A_85 : vector<16xi1>
      %jit3A_86 = arith.constant 0 : i32
      %broadcast_in_dim3A_87 = vector.broadcast %jit3A_86 : i32 to vector<16xi32>
      %select_n3A_88 = arith.select %or3A, %iota3A_24, %broadcast_in_dim3A_87 : vector<16xi1>, vector<16xi32>
      %broadcast_in_dim3A_89 = arith.constant true
      %broadcast_in_dim3A_90 = vector.broadcast %broadcast_in_dim3A_89 : i1 to vector<16xi1>
      %masked_cummax3A = arith.constant -2147483648 : i32
      %masked_cummax3A_91 = vector.broadcast %masked_cummax3A : i32 to vector<16xi32>
      %masked_cummax3A_92 = arith.xori %select_n3A_88, %masked_cummax3A_91 : vector<16xi32>
      %masked_cummax3A_93 = tpu.scan <max>, %masked_cummax3A_92 masked %broadcast_in_dim3A_90 : vector<16xi32>, vector<16xi1> -> vector<16xi32>
      %masked_cummax3A_94 = arith.xori %masked_cummax3A_93, %masked_cummax3A_91 : vector<16xi32>
      %sub3A_95 = arith.subi %iota3A_24, %masked_cummax3A_94 : vector<16xi32>
      tpu.vector_store_idx %arg12[%masked_sort3A_76], %sub3A_95 : memref<16xi32, #tpu.memory_space<vmem>>[vector<16xi32>], vector<16xi32>,
      %get3A_96 = arith.constant 0 : index
      %get3A_97 = tpu.vector_load %arg12[%get3A_96] {strides = array<i32>} : memref<16xi32, #tpu.memory_space<vmem>>, vector<16xi32>,
      %reduce_max3A = arith.constant true
      %reduce_max3A_98 = vector.broadcast %reduce_max3A : i1 to vector<16xi1>
      %reduce_max3A_99 = arith.constant -2147483648 : i32
      %reduce_max3A_100 = vector.broadcast %reduce_max3A_99 : i32 to vector<16xi32>
      %reduce_max3A_101 = arith.xori %get3A_97, %reduce_max3A_100 : vector<16xi32>
      %reduce_max3A_102 = tpu.scan <max>, %reduce_max3A_101 masked %reduce_max3A_98 : vector<16xi32>, vector<16xi1> -> vector<16xi32>
      %reduce_max3A_103 = arith.xori %reduce_max3A_102, %reduce_max3A_100 : vector<16xi32>
      %reduce_max3A_104 = vector.extract %reduce_max3A_103[15] : i32 from vector<16xi32>
      %rem3A_105 = arith.constant 8 : i32
      %rem3A_106 = arith.remsi %scan3A_58, %rem3A_105 : i32
      %eq3A_107 = arith.constant 0 : i32
      %eq3A_108 = vector.broadcast %eq3A_107 : i32 to vector<16xi32>
      %eq3A_109 = arith.cmpi eq, %get3A_97, %eq3A_108 : vector<16xi32>
      %jit3A_110 = arith.constant 1000 : i32
      %broadcast_in_dim3A_111 = vector.broadcast %jit3A_110 : i32 to vector<16xi32>
      %select_n3A_112 = arith.select %eq3A_109, %get3A_70, %broadcast_in_dim3A_111 : vector<16xi1>, vector<16xi32>
      %swap3A_113 = arith.index_cast %rem3A_106 : i32 to index
      %swap3A_114 = arith.constant 0 : index
      %swap3A_115 = tpu.vector_load %arg10[%swap3A_113, %swap3A_114] {strides = array<i32>} : memref<24x16xi32, #tpu.memory_space<vmem>>, vector<16xi32>,
      tpu.vector_store %arg10[%swap3A_113, %swap3A_114], %select_n3A_112 {strides = array<i32>} : memref<24x16xi32, #tpu.memory_space<vmem>>, vector<16xi32>,
      %dma_start3A = arith.constant 0 : i32
      %dma_start3A_116 = tpu.memref_slice %arg9[%mul3A_61, %dma_start3A] : memref<32x528xf32, #tpu.memory_space<vmem>> -> memref<16x528xf32, #tpu.memory_space<vmem>>
      %dma_start3A_117 = arith.constant 0 : i32
      %dma_start3A_118 = tpu.memref_slice %arg10[%rem3A_106, %dma_start3A_117] : memref<24x16xi32, #tpu.memory_space<vmem>> -> memref<1x16xi32, #tpu.memory_space<vmem>>
      %dma_start3A_119 = tpu.memref_squeeze %dma_start3A_118 : memref<1x16xi32, #tpu.memory_space<vmem>> -> memref<16xi32, #tpu.memory_space<vmem>>
      %dma_start3A_120 = arith.constant 0 : i32
      %dma_start3A_121 = arith.constant 0 : i32
      %dma_start3A_122 = tpu.memref_slice %arg8[%dma_start3A_120, %dma_start3A_121] : memref<1008x528xf32, #tpu.memory_space<vmem_shared>> -> memref<1008x528xf32, #tpu.memory_space<vmem_shared>>
      tpu.enqueue_indirect_dma source(%dma_start3A_116 : memref<16x528xf32, #tpu.memory_space<vmem>>) target(%dma_start3A_122 : memref<1008x528xf32, #tpu.memory_space<vmem_shared>>) offsets(%dma_start3A_119 : memref<16xi32, #tpu.memory_space<vmem>>) semaphore(%arg18 : memref<!tpu.dma_semaphore, #tpu.memory_space<semaphore_mem>>) {add = true}
      %add3A_123 = arith.constant 1 : i32
      %add3A_124 = arith.addi %scan3A_58, %add3A_123 : i32
      %min3A_125 = arith.constant 63 : i32
      %min3A_126 = arith.minsi %add3A_124, %min3A_125 : i32
      %mul3A_127 = arith.constant 16 : i32
      %mul3A_128 = arith.muli %min3A_126, %mul3A_127 : i32
      %add3A_129 = arith.addi %mul3A_23, %mul3A_128 : i32
      %dma_start3A_130 = arith.constant 16 : i32
      %dma_start3A_131 = tpu.memref_slice %arg9[%mul3A_67, %dma_start3A_130] : memref<32x528xf32, #tpu.memory_space<vmem>> -> memref<16x512xf32, #tpu.memory_space<vmem>>
      %dma_start3A_132 = tpu.memref_slice %arg2[%add3A_129, %mul3A_0] : memref<16384x1000xf32, #tpu.memory_space<hbm>> -> memref<16x512xf32, #tpu.memory_space<hbm>>
      %dma_start3A_133 = arith.constant 16 : i32
      %dma_start3A_134 = tpu.memref_slice %arg9[%mul3A_67, %dma_start3A_133] : memref<32x528xf32, #tpu.memory_space<vmem>> -> memref<16x512xf32, #tpu.memory_space<vmem>>
      %dma_start3A_135 = tpu.memref_slice %arg2[%add3A_129, %mul3A_0] : memref<16384x1000xf32, #tpu.memory_space<hbm>> -> memref<16x512xf32, #tpu.memory_space<hbm>>
      tpu.enqueue_dma source(%dma_start3A_135 : memref<16x512xf32, #tpu.memory_space<hbm>>) target(%dma_start3A_134 : memref<16x512xf32, #tpu.memory_space<vmem>>) target_semaphore(%arg17 : memref<!tpu.dma_semaphore, #tpu.memory_space<semaphore_mem>>)
      %gt3A = arith.constant 0 : i32
      %gt3A_136 = arith.cmpi sgt, %reduce_max3A_104, %gt3A : i32
      %convert_element_type3A = arith.extui %gt3A_136 : i1 to i32
      %cond3A = arith.constant 0 : i32
      %cond3A_137 = arith.cmpi ne, %convert_element_type3A, %cond3A : i32
      scf.if %cond3A_137 {
        %add3A_151 = arith.constant 1 : i32
        %add3A_152 = arith.addi %reduce_max3A_104, %add3A_151 : i32
        %while3A = arith.constant 0 : i32
        %while3A_153 = arith.constant 1 : i32
        %while3A_154 = arith.subi %add3A_152, %while3A_153 : i32
        %while3A_155 = arith.addi %while3A_153, %while3A_154 : i32
        %while3A_156 = arith.constant 1 : i32
        %while3A_157 = arith.divsi %while3A_154, %while3A_156 : i32
        %while3A_158 = arith.muli %while3A_157, %while3A_156 : i32
        %while3A_159 = arith.addi %while3A_153, %while3A_158 : i32
        %while3A_160 = arith.constant 1 : i32
        scf.for %while3A_162 = %while3A_153 to %while3A_159 step %while3A_160  : i32 {
          %eq3A_163 = vector.broadcast %while3A_162 : i32 to vector<16xi32>
          %eq3A_164 = arith.cmpi eq, %get3A_97, %eq3A_163 : vector<16xi32>
          %jit3A_165 = arith.constant 1000 : i32
          %broadcast_in_dim3A_166 = vector.broadcast %jit3A_165 : i32 to vector<16xi32>
          %select_n3A_167 = arith.select %eq3A_164, %get3A_70, %broadcast_in_dim3A_166 : vector<16xi1>, vector<16xi32>
          %swap3A_168 = arith.constant 16 : i32
          %swap3A_169 = arith.index_cast %swap3A_168 : i32 to index
          %swap3A_170 = arith.constant 0 : index
          %swap3A_171 = tpu.vector_load %arg10[%swap3A_169, %swap3A_170] {strides = array<i32>} : memref<24x16xi32, #tpu.memory_space<vmem>>, vector<16xi32>,
          tpu.vector_store %arg10[%swap3A_169, %swap3A_170], %select_n3A_167 {strides = array<i32>} : memref<24x16xi32, #tpu.memory_space<vmem>>, vector<16xi32>,
          %run_scoped3A = arith.constant 16 : i32
          "tpu.region"() ({
            %run_scoped3A_172 = tpu.sem_alloc : memref<!tpu.dma_semaphore, #tpu.memory_space<semaphore_mem>>
            %dma_start3A_173 = arith.constant 0 : i32
            %dma_start3A_174 = tpu.memref_slice %arg9[%mul3A_61, %dma_start3A_173] : memref<32x528xf32, #tpu.memory_space<vmem>> -> memref<16x528xf32, #tpu.memory_space<vmem>>
            %dma_start3A_175 = arith.constant 0 : i32
            %dma_start3A_176 = tpu.memref_slice %arg10[%run_scoped3A, %dma_start3A_175] : memref<24x16xi32, #tpu.memory_space<vmem>> -> memref<1x16xi32, #tpu.memory_space<vmem>>
            %dma_start3A_177 = tpu.memref_squeeze %dma_start3A_176 : memref<1x16xi32, #tpu.memory_space<vmem>> -> memref<16xi32, #tpu.memory_space<vmem>>
            %dma_start3A_178 = arith.constant 0 : i32
            %dma_start3A_179 = arith.constant 0 : i32
            %dma_start3A_180 = tpu.memref_slice %arg8[%dma_start3A_178, %dma_start3A_179] : memref<1008x528xf32, #tpu.memory_space<vmem_shared>> -> memref<1008x528xf32, #tpu.memory_space<vmem_shared>>
            tpu.enqueue_indirect_dma source(%dma_start3A_174 : memref<16x528xf32, #tpu.memory_space<vmem>>) target(%dma_start3A_180 : memref<1008x528xf32, #tpu.memory_space<vmem_shared>>) offsets(%dma_start3A_177 : memref<16xi32, #tpu.memory_space<vmem>>) semaphore(%run_scoped3A_172 : memref<!tpu.dma_semaphore, #tpu.memory_space<semaphore_mem>>) {add = true}
            %dma_wait3A_181 = arith.constant 0 : i32
            %dma_wait3A_182 = tpu.memref_slice %arg9[%mul3A_61, %dma_wait3A_181] : memref<32x528xf32, #tpu.memory_space<vmem>> -> memref<16x528xf32, #tpu.memory_space<vmem>>
            %dma_wait3A_183 = arith.constant 0 : i32
            %dma_wait3A_184 = tpu.memref_slice %arg10[%run_scoped3A, %dma_wait3A_183] : memref<24x16xi32, #tpu.memory_space<vmem>> -> memref<1x16xi32, #tpu.memory_space<vmem>>
            %dma_wait3A_185 = tpu.memref_squeeze %dma_wait3A_184 : memref<1x16xi32, #tpu.memory_space<vmem>> -> memref<16xi32, #tpu.memory_space<vmem>>
            %dma_wait3A_186 = arith.constant 0 : i32
            %dma_wait3A_187 = arith.constant 0 : i32
            %dma_wait3A_188 = tpu.memref_slice %arg8[%dma_wait3A_186, %dma_wait3A_187] : memref<1008x528xf32, #tpu.memory_space<vmem_shared>> -> memref<1008x528xf32, #tpu.memory_space<vmem_shared>>
            tpu.wait_indirect_dma semaphore(%run_scoped3A_172 : memref<!tpu.dma_semaphore, #tpu.memory_space<semaphore_mem>>) src(%dma_wait3A_182 : memref<16x528xf32, #tpu.memory_space<vmem>>) dst(%dma_wait3A_188 : memref<1008x528xf32, #tpu.memory_space<vmem_shared>>)
            tpu.yield
          }) : () -> ()
        }
        %while3A_161 = arith.constant 1 : i32
        scf.for %while3A_162 = %while3A_159 to %while3A_155 step %while3A_161  : i32 {
          %eq3A_163 = vector.broadcast %while3A_162 : i32 to vector<16xi32>
          %eq3A_164 = arith.cmpi eq, %get3A_97, %eq3A_163 : vector<16xi32>
          %jit3A_165 = arith.constant 1000 : i32
          %broadcast_in_dim3A_166 = vector.broadcast %jit3A_165 : i32 to vector<16xi32>
          %select_n3A_167 = arith.select %eq3A_164, %get3A_70, %broadcast_in_dim3A_166 : vector<16xi1>, vector<16xi32>
          %swap3A_168 = arith.constant 16 : i32
          %swap3A_169 = arith.index_cast %swap3A_168 : i32 to index
          %swap3A_170 = arith.constant 0 : index
          %swap3A_171 = tpu.vector_load %arg10[%swap3A_169, %swap3A_170] {strides = array<i32>} : memref<24x16xi32, #tpu.memory_space<vmem>>, vector<16xi32>,
          tpu.vector_store %arg10[%swap3A_169, %swap3A_170], %select_n3A_167 {strides = array<i32>} : memref<24x16xi32, #tpu.memory_space<vmem>>, vector<16xi32>,
          %run_scoped3A = arith.constant 16 : i32
          "tpu.region"() ({
            %run_scoped3A_172 = tpu.sem_alloc : memref<!tpu.dma_semaphore, #tpu.memory_space<semaphore_mem>>
            %dma_start3A_173 = arith.constant 0 : i32
            %dma_start3A_174 = tpu.memref_slice %arg9[%mul3A_61, %dma_start3A_173] : memref<32x528xf32, #tpu.memory_space<vmem>> -> memref<16x528xf32, #tpu.memory_space<vmem>>
            %dma_start3A_175 = arith.constant 0 : i32
            %dma_start3A_176 = tpu.memref_slice %arg10[%run_scoped3A, %dma_start3A_175] : memref<24x16xi32, #tpu.memory_space<vmem>> -> memref<1x16xi32, #tpu.memory_space<vmem>>
            %dma_start3A_177 = tpu.memref_squeeze %dma_start3A_176 : memref<1x16xi32, #tpu.memory_space<vmem>> -> memref<16xi32, #tpu.memory_space<vmem>>
            %dma_start3A_178 = arith.constant 0 : i32
            %dma_start3A_179 = arith.constant 0 : i32
            %dma_start3A_180 = tpu.memref_slice %arg8[%dma_start3A_178, %dma_start3A_179] : memref<1008x528xf32, #tpu.memory_space<vmem_shared>> -> memref<1008x528xf32, #tpu.memory_space<vmem_shared>>
            tpu.enqueue_indirect_dma source(%dma_start3A_174 : memref<16x528xf32, #tpu.memory_space<vmem>>) target(%dma_start3A_180 : memref<1008x528xf32, #tpu.memory_space<vmem_shared>>) offsets(%dma_start3A_177 : memref<16xi32, #tpu.memory_space<vmem>>) semaphore(%run_scoped3A_172 : memref<!tpu.dma_semaphore, #tpu.memory_space<semaphore_mem>>) {add = true}
            %dma_wait3A_181 = arith.constant 0 : i32
            %dma_wait3A_182 = tpu.memref_slice %arg9[%mul3A_61, %dma_wait3A_181] : memref<32x528xf32, #tpu.memory_space<vmem>> -> memref<16x528xf32, #tpu.memory_space<vmem>>
            %dma_wait3A_183 = arith.constant 0 : i32
            %dma_wait3A_184 = tpu.memref_slice %arg10[%run_scoped3A, %dma_wait3A_183] : memref<24x16xi32, #tpu.memory_space<vmem>> -> memref<1x16xi32, #tpu.memory_space<vmem>>
            %dma_wait3A_185 = tpu.memref_squeeze %dma_wait3A_184 : memref<1x16xi32, #tpu.memory_space<vmem>> -> memref<16xi32, #tpu.memory_space<vmem>>
            %dma_wait3A_186 = arith.constant 0 : i32
            %dma_wait3A_187 = arith.constant 0 : i32
            %dma_wait3A_188 = tpu.memref_slice %arg8[%dma_wait3A_186, %dma_wait3A_187] : memref<1008x528xf32, #tpu.memory_space<vmem_shared>> -> memref<1008x528xf32, #tpu.memory_space<vmem_shared>>
            tpu.wait_indirect_dma semaphore(%run_scoped3A_172 : memref<!tpu.dma_semaphore, #tpu.memory_space<semaphore_mem>>) src(%dma_wait3A_182 : memref<16x528xf32, #tpu.memory_space<vmem>>) dst(%dma_wait3A_188 : memref<1008x528xf32, #tpu.memory_space<vmem_shared>>)
            tpu.yield
          }) : () -> ()
        }
      } else {
      }
      %dma_wait3A = arith.constant 0 : i32
      %dma_wait3A_138 = tpu.memref_slice %arg9[%mul3A_61, %dma_wait3A] : memref<32x528xf32, #tpu.memory_space<vmem>> -> memref<16x528xf32, #tpu.memory_space<vmem>>
      %dma_wait3A_139 = arith.constant 0 : i32
      %dma_wait3A_140 = tpu.memref_slice %arg10[%rem3A_106, %dma_wait3A_139] : memref<24x16xi32, #tpu.memory_space<vmem>> -> memref<1x16xi32, #tpu.memory_space<vmem>>
      %dma_wait3A_141 = tpu.memref_squeeze %dma_wait3A_140 : memref<1x16xi32, #tpu.memory_space<vmem>> -> memref<16xi32, #tpu.memory_space<vmem>>
      %dma_wait3A_142 = arith.constant 0 : i32
      %dma_wait3A_143 = arith.constant 0 : i32
      %dma_wait3A_144 = tpu.memref_slice %arg8[%dma_wait3A_142, %dma_wait3A_143] : memref<1008x528xf32, #tpu.memory_space<vmem_shared>> -> memref<1008x528xf32, #tpu.memory_space<vmem_shared>>
      tpu.wait_indirect_dma semaphore(%arg18 : memref<!tpu.dma_semaphore, #tpu.memory_space<semaphore_mem>>) src(%dma_wait3A_138 : memref<16x528xf32, #tpu.memory_space<vmem>>) dst(%dma_wait3A_144 : memref<1008x528xf32, #tpu.memory_space<vmem_shared>>)
      %dma_wait3A_145 = arith.constant 16 : i32
      %dma_wait3A_146 = tpu.memref_slice %arg9[%mul3A_67, %dma_wait3A_145] : memref<32x528xf32, #tpu.memory_space<vmem>> -> memref<16x512xf32, #tpu.memory_space<vmem>>
      %dma_wait3A_147 = tpu.memref_slice %arg2[%add3A_129, %mul3A_0] : memref<16384x1000xf32, #tpu.memory_space<hbm>> -> memref<16x512xf32, #tpu.memory_space<hbm>>
      %dma_wait3A_148 = arith.constant 16 : i32
      %dma_wait3A_149 = tpu.memref_slice %arg9[%mul3A_67, %dma_wait3A_148] : memref<32x528xf32, #tpu.memory_space<vmem>> -> memref<16x512xf32, #tpu.memory_space<vmem>>
      %dma_wait3A_150 = tpu.memref_slice %arg2[%add3A_129, %mul3A_0] : memref<16384x1000xf32, #tpu.memory_space<hbm>> -> memref<16x512xf32, #tpu.memory_space<hbm>>
      tpu.wait_dma2 semaphore(%arg17 : memref<!tpu.dma_semaphore, #tpu.memory_space<semaphore_mem>>) src(%dma_wait3A_150 : memref<16x512xf32, #tpu.memory_space<hbm>>) dst(%dma_wait3A_149 : memref<16x512xf32, #tpu.memory_space<vmem>>)
    }
    %scan3A_30 = arith.constant 64 : i32
    %barrier3A_31 = arith.constant 0 : index
    tpu.barrier barrier_id(%barrier3A_31)
    %mul3A_32 = arith.constant 64 : i32
    %mul3A_33 = arith.muli %arg1, %mul3A_32 : i32
    %min3A_34 = arith.constant 936 : i32
    %min3A_35 = arith.minsi %mul3A_33, %min3A_34 : i32
    %broadcast_in_dim3A_36 = arith.constant 0 : i32
    %broadcast_in_dim3A_37 = vector.broadcast %broadcast_in_dim3A_36 : i32 to vector<16xi32>
    %add3A_38 = arith.constant 0 : i32
    %add3A_39 = arith.addi %min3A_35, %add3A_38 : i32
    "tpu.region"() ({
      %run_scoped3A = tpu.sem_alloc : memref<!tpu.dma_semaphore, #tpu.memory_space<semaphore_mem>>
      %dma_start3A = tpu.memref_slice %arg4[%add3A_39, %mul3A_0] : memref<1000x1000xf32, #tpu.memory_space<hbm>> -> memref<32x512xf32, #tpu.memory_space<hbm>>
      %dma_start3A_58 = tpu.memref_slice %arg4[%add3A_39, %mul3A_0] : memref<1000x1000xf32, #tpu.memory_space<hbm>> -> memref<32x512xf32, #tpu.memory_space<hbm>>
      tpu.enqueue_dma source(%dma_start3A_58 : memref<32x512xf32, #tpu.memory_space<hbm>>) target(%arg13 : memref<32x512xf32, #tpu.memory_space<vmem>>) target_semaphore(%run_scoped3A : memref<!tpu.dma_semaphore, #tpu.memory_space<semaphore_mem>>)
      %dma_wait3A = tpu.memref_slice %arg4[%add3A_39, %mul3A_0] : memref<1000x1000xf32, #tpu.memory_space<hbm>> -> memref<32x512xf32, #tpu.memory_space<hbm>>
      %dma_wait3A_59 = tpu.memref_slice %arg4[%add3A_39, %mul3A_0] : memref<1000x1000xf32, #tpu.memory_space<hbm>> -> memref<32x512xf32, #tpu.memory_space<hbm>>
      tpu.wait_dma2 semaphore(%run_scoped3A : memref<!tpu.dma_semaphore, #tpu.memory_space<semaphore_mem>>) src(%dma_wait3A_59 : memref<32x512xf32, #tpu.memory_space<hbm>>) dst(%arg13 : memref<32x512xf32, #tpu.memory_space<vmem>>)
      tpu.yield
    }) : () -> ()
    "tpu.region"() ({
      %run_scoped3A = tpu.sem_alloc : memref<!tpu.dma_semaphore, #tpu.memory_space<semaphore_mem>>
      %dma_start3A = arith.constant 0 : i32
      %dma_start3A_58 = tpu.memref_slice %arg8[%add3A_39, %dma_start3A] : memref<1008x528xf32, #tpu.memory_space<vmem_shared>> -> memref<32x528xf32, #tpu.memory_space<vmem_shared>>
      %dma_start3A_59 = arith.constant 0 : i32
      %dma_start3A_60 = tpu.memref_slice %arg8[%add3A_39, %dma_start3A_59] : memref<1008x528xf32, #tpu.memory_space<vmem_shared>> -> memref<32x528xf32, #tpu.memory_space<vmem_shared>>
      tpu.enqueue_dma source(%dma_start3A_60 : memref<32x528xf32, #tpu.memory_space<vmem_shared>>) target(%arg14 : memref<32x528xf32, #tpu.memory_space<vmem>>) target_semaphore(%run_scoped3A : memref<!tpu.dma_semaphore, #tpu.memory_space<semaphore_mem>>)
      %dma_wait3A = arith.constant 0 : i32
      %dma_wait3A_61 = tpu.memref_slice %arg8[%add3A_39, %dma_wait3A] : memref<1008x528xf32, #tpu.memory_space<vmem_shared>> -> memref<32x528xf32, #tpu.memory_space<vmem_shared>>
      %dma_wait3A_62 = arith.constant 0 : i32
      %dma_wait3A_63 = tpu.memref_slice %arg8[%add3A_39, %dma_wait3A_62] : memref<1008x528xf32, #tpu.memory_space<vmem_shared>> -> memref<32x528xf32, #tpu.memory_space<vmem_shared>>
      tpu.wait_dma2 semaphore(%run_scoped3A : memref<!tpu.dma_semaphore, #tpu.memory_space<semaphore_mem>>) src(%dma_wait3A_63 : memref<32x528xf32, #tpu.memory_space<vmem_shared>>) dst(%arg14 : memref<32x528xf32, #tpu.memory_space<vmem>>)
      tpu.yield
    }) : () -> ()
    "tpu.region"() ({
      %run_scoped3A = tpu.sem_alloc : memref<!tpu.dma_semaphore, #tpu.memory_space<semaphore_mem>>
      %dma_start3A = arith.constant 0 : i32
      %dma_start3A_58 = tpu.memref_slice %arg5[%add3A_39, %dma_start3A] : memref<1000x1xf32, #tpu.memory_space<hbm>> -> memref<32x1xf32, #tpu.memory_space<hbm>>
      %dma_start3A_59 = arith.constant 0 : i32
      %dma_start3A_60 = tpu.memref_slice %arg5[%add3A_39, %dma_start3A_59] : memref<1000x1xf32, #tpu.memory_space<hbm>> -> memref<32x1xf32, #tpu.memory_space<hbm>>
      tpu.enqueue_dma source(%dma_start3A_60 : memref<32x1xf32, #tpu.memory_space<hbm>>) target(%arg15 : memref<32x1xf32, #tpu.memory_space<vmem>>) target_semaphore(%run_scoped3A : memref<!tpu.dma_semaphore, #tpu.memory_space<semaphore_mem>>)
      %dma_wait3A = arith.constant 0 : i32
      %dma_wait3A_61 = tpu.memref_slice %arg5[%add3A_39, %dma_wait3A] : memref<1000x1xf32, #tpu.memory_space<hbm>> -> memref<32x1xf32, #tpu.memory_space<hbm>>
      %dma_wait3A_62 = arith.constant 0 : i32
      %dma_wait3A_63 = tpu.memref_slice %arg5[%add3A_39, %dma_wait3A_62] : memref<1000x1xf32, #tpu.memory_space<hbm>> -> memref<32x1xf32, #tpu.memory_space<hbm>>
      tpu.wait_dma2 semaphore(%run_scoped3A : memref<!tpu.dma_semaphore, #tpu.memory_space<semaphore_mem>>) src(%dma_wait3A_63 : memref<32x1xf32, #tpu.memory_space<hbm>>) dst(%arg15 : memref<32x1xf32, #tpu.memory_space<vmem>>)
      tpu.yield
    }) : () -> ()
    "tpu.region"() ({
      %run_scoped3A = tpu.sem_alloc : memref<!tpu.dma_semaphore, #tpu.memory_space<semaphore_mem>>
      %dma_start3A = arith.constant 0 : i32
      %dma_start3A_58 = tpu.memref_slice %arg6[%add3A_39, %dma_start3A] : memref<1000x1xf32, #tpu.memory_space<hbm>> -> memref<32x1xf32, #tpu.memory_space<hbm>>
      %dma_start3A_59 = arith.constant 0 : i32
      %dma_start3A_60 = tpu.memref_slice %arg6[%add3A_39, %dma_start3A_59] : memref<1000x1xf32, #tpu.memory_space<hbm>> -> memref<32x1xf32, #tpu.memory_space<hbm>>
      tpu.enqueue_dma source(%dma_start3A_60 : memref<32x1xf32, #tpu.memory_space<hbm>>) target(%arg16 : memref<32x1xf32, #tpu.memory_space<vmem>>) target_semaphore(%run_scoped3A : memref<!tpu.dma_semaphore, #tpu.memory_space<semaphore_mem>>)
      %dma_wait3A = arith.constant 0 : i32
      %dma_wait3A_61 = tpu.memref_slice %arg6[%add3A_39, %dma_wait3A] : memref<1000x1xf32, #tpu.memory_space<hbm>> -> memref<32x1xf32, #tpu.memory_space<hbm>>
      %dma_wait3A_62 = arith.constant 0 : i32
      %dma_wait3A_63 = tpu.memref_slice %arg6[%add3A_39, %dma_wait3A_62] : memref<1000x1xf32, #tpu.memory_space<hbm>> -> memref<32x1xf32, #tpu.memory_space<hbm>>
      tpu.wait_dma2 semaphore(%run_scoped3A : memref<!tpu.dma_semaphore, #tpu.memory_space<semaphore_mem>>) src(%dma_wait3A_63 : memref<32x1xf32, #tpu.memory_space<hbm>>) dst(%arg16 : memref<32x1xf32, #tpu.memory_space<vmem>>)
      tpu.yield
    }) : () -> ()
    %scan3A_40 = arith.constant 0 : i32
    %scan3A_41 = arith.constant 0 : i32
    %scan3A_42 = arith.constant 32 : i32
    %scan3A_43 = arith.addi %scan3A_41, %scan3A_42 : i32
    %scan3A_44 = arith.constant 1 : i32
    scf.for %scan3A_58 = %scan3A_41 to %scan3A_43 step %scan3A_44  : i32 {
      %broadcast_in_dim3A_59 = vector.broadcast %scan3A_58 : i32 to vector<16xi32>
      %gather3A = tpu.vector_load_idx %arg15[%broadcast_in_dim3A_59, %broadcast_in_dim3A_37] : memref<32x1xf32, #tpu.memory_space<vmem>>[vector<16xi32>, vector<16xi32>], vector<16xf32>,
      %gather3A_60 = tpu.vector_load_idx %arg16[%broadcast_in_dim3A_59, %broadcast_in_dim3A_37] : memref<32x1xf32, #tpu.memory_space<vmem>>[vector<16xi32>, vector<16xi32>], vector<16xf32>,
      %gather3A_61 = tpu.vector_load_idx %arg14[%broadcast_in_dim3A_59, %broadcast_in_dim3A_37] : memref<32x528xf32, #tpu.memory_space<vmem>>[vector<16xi32>, vector<16xi32>], vector<16xf32>,
      %gt3A = arith.constant 0.000000e+00 : f32
      %gt3A_62 = vector.broadcast %gt3A : f32 to vector<16xf32>
      %gt3A_63 = arith.cmpf ogt, %gather3A_61, %gt3A_62 : vector<16xf32>
      %get3A = arith.index_cast %scan3A_58 : i32 to index
      %get3A_64 = arith.constant 0 : index
      %get3A_65 = tpu.vector_load %arg13[%get3A, %get3A_64] {strides = array<i32>} : memref<32x512xf32, #tpu.memory_space<vmem>>, vector<16xf32>,
      %get3A_66 = arith.index_cast %scan3A_58 : i32 to index
      %get3A_67 = arith.constant 16 : index
      %get3A_68 = tpu.vector_load %arg14[%get3A_66, %get3A_67] {strides = array<i32>} : memref<32x528xf32, #tpu.memory_space<vmem>>, vector<16xf32>,
      %mul3A_69 = arith.mulf %gather3A, %get3A_65 : vector<16xf32>
      %mul3A_70 = arith.mulf %gather3A_60, %get3A_68 : vector<16xf32>
      %add3A_71 = arith.addf %mul3A_69, %mul3A_70 : vector<16xf32>
      %select_n3A_72 = arith.select %gt3A_63, %add3A_71, %get3A_65 : vector<16xi1>, vector<16xf32>
      %swap3A = arith.index_cast %scan3A_58 : i32 to index
      %swap3A_73 = arith.constant 0 : index
      %swap3A_74 = tpu.vector_load %arg13[%swap3A, %swap3A_73] {strides = array<i32>} : memref<32x512xf32, #tpu.memory_space<vmem>>, vector<16xf32>,
      tpu.vector_store %arg13[%swap3A, %swap3A_73], %select_n3A_72 {strides = array<i32>} : memref<32x512xf32, #tpu.memory_space<vmem>>, vector<16xf32>,
      %get3A_75 = arith.index_cast %scan3A_58 : i32 to index
      %get3A_76 = arith.constant 16 : index
      %get3A_77 = tpu.vector_load %arg13[%get3A_75, %get3A_76] {strides = array<i32>} : memref<32x512xf32, #tpu.memory_space<vmem>>, vector<16xf32>,
      %get3A_78 = arith.index_cast %scan3A_58 : i32 to index
      %get3A_79 = arith.constant 32 : index
      %get3A_80 = tpu.vector_load %arg14[%get3A_78, %get3A_79] {strides = array<i32>} : memref<32x528xf32, #tpu.memory_space<vmem>>, vector<16xf32>,
      %mul3A_81 = arith.mulf %gather3A, %get3A_77 : vector<16xf32>
      %mul3A_82 = arith.mulf %gather3A_60, %get3A_80 : vector<16xf32>
      %add3A_83 = arith.addf %mul3A_81, %mul3A_82 : vector<16xf32>
      %select_n3A_84 = arith.select %gt3A_63, %add3A_83, %get3A_77 : vector<16xi1>, vector<16xf32>
      %swap3A_85 = arith.index_cast %scan3A_58 : i32 to index
      %swap3A_86 = arith.constant 16 : index
      %swap3A_87 = tpu.vector_load %arg13[%swap3A_85, %swap3A_86] {strides = array<i32>} : memref<32x512xf32, #tpu.memory_space<vmem>>, vector<16xf32>,
      tpu.vector_store %arg13[%swap3A_85, %swap3A_86], %select_n3A_84 {strides = array<i32>} : memref<32x512xf32, #tpu.memory_space<vmem>>, vector<16xf32>,
      %get3A_88 = arith.index_cast %scan3A_58 : i32 to index
      %get3A_89 = arith.constant 32 : index
      %get3A_90 = tpu.vector_load %arg13[%get3A_88, %get3A_89] {strides = array<i32>} : memref<32x512xf32, #tpu.memory_space<vmem>>, vector<16xf32>,
      %get3A_91 = arith.index_cast %scan3A_58 : i32 to index
      %get3A_92 = arith.constant 48 : index
      %get3A_93 = tpu.vector_load %arg14[%get3A_91, %get3A_92] {strides = array<i32>} : memref<32x528xf32, #tpu.memory_space<vmem>>, vector<16xf32>,
      %mul3A_94 = arith.mulf %gather3A, %get3A_90 : vector<16xf32>
      %mul3A_95 = arith.mulf %gather3A_60, %get3A_93 : vector<16xf32>
      %add3A_96 = arith.addf %mul3A_94, %mul3A_95 : vector<16xf32>
      %select_n3A_97 = arith.select %gt3A_63, %add3A_96, %get3A_90 : vector<16xi1>, vector<16xf32>
      %swap3A_98 = arith.index_cast %scan3A_58 : i32 to index
      %swap3A_99 = arith.constant 32 : index
      %swap3A_100 = tpu.vector_load %arg13[%swap3A_98, %swap3A_99] {strides = array<i32>} : memref<32x512xf32, #tpu.memory_space<vmem>>, vector<16xf32>,
      tpu.vector_store %arg13[%swap3A_98, %swap3A_99], %select_n3A_97 {strides = array<i32>} : memref<32x512xf32, #tpu.memory_space<vmem>>, vector<16xf32>,
      %get3A_101 = arith.index_cast %scan3A_58 : i32 to index
      %get3A_102 = arith.constant 48 : index
      %get3A_103 = tpu.vector_load %arg13[%get3A_101, %get3A_102] {strides = array<i32>} : memref<32x512xf32, #tpu.memory_space<vmem>>, vector<16xf32>,
      %get3A_104 = arith.index_cast %scan3A_58 : i32 to index
      %get3A_105 = arith.constant 64 : index
      %get3A_106 = tpu.vector_load %arg14[%get3A_104, %get3A_105] {strides = array<i32>} : memref<32x528xf32, #tpu.memory_space<vmem>>, vector<16xf32>,
      %mul3A_107 = arith.mulf %gather3A, %get3A_103 : vector<16xf32>
      %mul3A_108 = arith.mulf %gather3A_60, %get3A_106 : vector<16xf32>
      %add3A_109 = arith.addf %mul3A_107, %mul3A_108 : vector<16xf32>
      %select_n3A_110 = arith.select %gt3A_63, %add3A_109, %get3A_103 : vector<16xi1>, vector<16xf32>
      %swap3A_111 = arith.index_cast %scan3A_58 : i32 to index
      %swap3A_112 = arith.constant 48 : index
      %swap3A_113 = tpu.vector_load %arg13[%swap3A_111, %swap3A_112] {strides = array<i32>} : memref<32x512xf32, #tpu.memory_space<vmem>>, vector<16xf32>,
      tpu.vector_store %arg13[%swap3A_111, %swap3A_112], %select_n3A_110 {strides = array<i32>} : memref<32x512xf32, #tpu.memory_space<vmem>>, vector<16xf32>,
      %get3A_114 = arith.index_cast %scan3A_58 : i32 to index
      %get3A_115 = arith.constant 64 : index
      %get3A_116 = tpu.vector_load %arg13[%get3A_114, %get3A_115] {strides = array<i32>} : memref<32x512xf32, #tpu.memory_space<vmem>>, vector<16xf32>,
      %get3A_117 = arith.index_cast %scan3A_58 : i32 to index
      %get3A_118 = arith.constant 80 : index
      %get3A_119 = tpu.vector_load %arg14[%get3A_117, %get3A_118] {strides = array<i32>} : memref<32x528xf32, #tpu.memory_space<vmem>>, vector<16xf32>,
      %mul3A_120 = arith.mulf %gather3A, %get3A_116 : vector<16xf32>
      %mul3A_121 = arith.mulf %gather3A_60, %get3A_119 : vector<16xf32>
      %add3A_122 = arith.addf %mul3A_120, %mul3A_121 : vector<16xf32>
      %select_n3A_123 = arith.select %gt3A_63, %add3A_122, %get3A_116 : vector<16xi1>, vector<16xf32>
      %swap3A_124 = arith.index_cast %scan3A_58 : i32 to index
      %swap3A_125 = arith.constant 64 : index
      %swap3A_126 = tpu.vector_load %arg13[%swap3A_124, %swap3A_125] {strides = array<i32>} : memref<32x512xf32, #tpu.memory_space<vmem>>, vector<16xf32>,
      tpu.vector_store %arg13[%swap3A_124, %swap3A_125], %select_n3A_123 {strides = array<i32>} : memref<32x512xf32, #tpu.memory_space<vmem>>, vector<16xf32>,
      %get3A_127 = arith.index_cast %scan3A_58 : i32 to index
      %get3A_128 = arith.constant 80 : index
      %get3A_129 = tpu.vector_load %arg13[%get3A_127, %get3A_128] {strides = array<i32>} : memref<32x512xf32, #tpu.memory_space<vmem>>, vector<16xf32>,
      %get3A_130 = arith.index_cast %scan3A_58 : i32 to index
      %get3A_131 = arith.constant 96 : index
      %get3A_132 = tpu.vector_load %arg14[%get3A_130, %get3A_131] {strides = array<i32>} : memref<32x528xf32, #tpu.memory_space<vmem>>, vector<16xf32>,
      %mul3A_133 = arith.mulf %gather3A, %get3A_129 : vector<16xf32>
      %mul3A_134 = arith.mulf %gather3A_60, %get3A_132 : vector<16xf32>
      %add3A_135 = arith.addf %mul3A_133, %mul3A_134 : vector<16xf32>
      %select_n3A_136 = arith.select %gt3A_63, %add3A_135, %get3A_129 : vector<16xi1>, vector<16xf32>
      %swap3A_137 = arith.index_cast %scan3A_58 : i32 to index
      %swap3A_138 = arith.constant 80 : index
      %swap3A_139 = tpu.vector_load %arg13[%swap3A_137, %swap3A_138] {strides = array<i32>} : memref<32x512xf32, #tpu.memory_space<vmem>>, vector<16xf32>,
      tpu.vector_store %arg13[%swap3A_137, %swap3A_138], %select_n3A_136 {strides = array<i32>} : memref<32x512xf32, #tpu.memory_space<vmem>>, vector<16xf32>,
      %get3A_140 = arith.index_cast %scan3A_58 : i32 to index
      %get3A_141 = arith.constant 96 : index
      %get3A_142 = tpu.vector_load %arg13[%get3A_140, %get3A_141] {strides = array<i32>} : memref<32x512xf32, #tpu.memory_space<vmem>>, vector<16xf32>,
      %get3A_143 = arith.index_cast %scan3A_58 : i32 to index
      %get3A_144 = arith.constant 112 : index
      %get3A_145 = tpu.vector_load %arg14[%get3A_143, %get3A_144] {strides = array<i32>} : memref<32x528xf32, #tpu.memory_space<vmem>>, vector<16xf32>,
      %mul3A_146 = arith.mulf %gather3A, %get3A_142 : vector<16xf32>
      %mul3A_147 = arith.mulf %gather3A_60, %get3A_145 : vector<16xf32>
      %add3A_148 = arith.addf %mul3A_146, %mul3A_147 : vector<16xf32>
      %select_n3A_149 = arith.select %gt3A_63, %add3A_148, %get3A_142 : vector<16xi1>, vector<16xf32>
      %swap3A_150 = arith.index_cast %scan3A_58 : i32 to index
      %swap3A_151 = arith.constant 96 : index
      %swap3A_152 = tpu.vector_load %arg13[%swap3A_150, %swap3A_151] {strides = array<i32>} : memref<32x512xf32, #tpu.memory_space<vmem>>, vector<16xf32>,
      tpu.vector_store %arg13[%swap3A_150, %swap3A_151], %select_n3A_149 {strides = array<i32>} : memref<32x512xf32, #tpu.memory_space<vmem>>, vector<16xf32>,
      %get3A_153 = arith.index_cast %scan3A_58 : i32 to index
      %get3A_154 = arith.constant 112 : index
      %get3A_155 = tpu.vector_load %arg13[%get3A_153, %get3A_154] {strides = array<i32>} : memref<32x512xf32, #tpu.memory_space<vmem>>, vector<16xf32>,
      %get3A_156 = arith.index_cast %scan3A_58 : i32 to index
      %get3A_157 = arith.constant 128 : index
      %get3A_158 = tpu.vector_load %arg14[%get3A_156, %get3A_157] {strides = array<i32>} : memref<32x528xf32, #tpu.memory_space<vmem>>, vector<16xf32>,
      %mul3A_159 = arith.mulf %gather3A, %get3A_155 : vector<16xf32>
      %mul3A_160 = arith.mulf %gather3A_60, %get3A_158 : vector<16xf32>
      %add3A_161 = arith.addf %mul3A_159, %mul3A_160 : vector<16xf32>
      %select_n3A_162 = arith.select %gt3A_63, %add3A_161, %get3A_155 : vector<16xi1>, vector<16xf32>
      %swap3A_163 = arith.index_cast %scan3A_58 : i32 to index
      %swap3A_164 = arith.constant 112 : index
      %swap3A_165 = tpu.vector_load %arg13[%swap3A_163, %swap3A_164] {strides = array<i32>} : memref<32x512xf32, #tpu.memory_space<vmem>>, vector<16xf32>,
      tpu.vector_store %arg13[%swap3A_163, %swap3A_164], %select_n3A_162 {strides = array<i32>} : memref<32x512xf32, #tpu.memory_space<vmem>>, vector<16xf32>,
      %get3A_166 = arith.index_cast %scan3A_58 : i32 to index
      %get3A_167 = arith.constant 128 : index
      %get3A_168 = tpu.vector_load %arg13[%get3A_166, %get3A_167] {strides = array<i32>} : memref<32x512xf32, #tpu.memory_space<vmem>>, vector<16xf32>,
      %get3A_169 = arith.index_cast %scan3A_58 : i32 to index
      %get3A_170 = arith.constant 144 : index
      %get3A_171 = tpu.vector_load %arg14[%get3A_169, %get3A_170] {strides = array<i32>} : memref<32x528xf32, #tpu.memory_space<vmem>>, vector<16xf32>,
      %mul3A_172 = arith.mulf %gather3A, %get3A_168 : vector<16xf32>
      %mul3A_173 = arith.mulf %gather3A_60, %get3A_171 : vector<16xf32>
      %add3A_174 = arith.addf %mul3A_172, %mul3A_173 : vector<16xf32>
      %select_n3A_175 = arith.select %gt3A_63, %add3A_174, %get3A_168 : vector<16xi1>, vector<16xf32>
      %swap3A_176 = arith.index_cast %scan3A_58 : i32 to index
      %swap3A_177 = arith.constant 128 : index
      %swap3A_178 = tpu.vector_load %arg13[%swap3A_176, %swap3A_177] {strides = array<i32>} : memref<32x512xf32, #tpu.memory_space<vmem>>, vector<16xf32>,
      tpu.vector_store %arg13[%swap3A_176, %swap3A_177], %select_n3A_175 {strides = array<i32>} : memref<32x512xf32, #tpu.memory_space<vmem>>, vector<16xf32>,
      %get3A_179 = arith.index_cast %scan3A_58 : i32 to index
      %get3A_180 = arith.constant 144 : index
      %get3A_181 = tpu.vector_load %arg13[%get3A_179, %get3A_180] {strides = array<i32>} : memref<32x512xf32, #tpu.memory_space<vmem>>, vector<16xf32>,
      %get3A_182 = arith.index_cast %scan3A_58 : i32 to index
      %get3A_183 = arith.constant 160 : index
      %get3A_184 = tpu.vector_load %arg14[%get3A_182, %get3A_183] {strides = array<i32>} : memref<32x528xf32, #tpu.memory_space<vmem>>, vector<16xf32>,
      %mul3A_185 = arith.mulf %gather3A, %get3A_181 : vector<16xf32>
      %mul3A_186 = arith.mulf %gather3A_60, %get3A_184 : vector<16xf32>
      %add3A_187 = arith.addf %mul3A_185, %mul3A_186 : vector<16xf32>
      %select_n3A_188 = arith.select %gt3A_63, %add3A_187, %get3A_181 : vector<16xi1>, vector<16xf32>
      %swap3A_189 = arith.index_cast %scan3A_58 : i32 to index
      %swap3A_190 = arith.constant 144 : index
      %swap3A_191 = tpu.vector_load %arg13[%swap3A_189, %swap3A_190] {strides = array<i32>} : memref<32x512xf32, #tpu.memory_space<vmem>>, vector<16xf32>,
      tpu.vector_store %arg13[%swap3A_189, %swap3A_190], %select_n3A_188 {strides = array<i32>} : memref<32x512xf32, #tpu.memory_space<vmem>>, vector<16xf32>,
      %get3A_192 = arith.index_cast %scan3A_58 : i32 to index
      %get3A_193 = arith.constant 160 : index
      %get3A_194 = tpu.vector_load %arg13[%get3A_192, %get3A_193] {strides = array<i32>} : memref<32x512xf32, #tpu.memory_space<vmem>>, vector<16xf32>,
      %get3A_195 = arith.index_cast %scan3A_58 : i32 to index
      %get3A_196 = arith.constant 176 : index
      %get3A_197 = tpu.vector_load %arg14[%get3A_195, %get3A_196] {strides = array<i32>} : memref<32x528xf32, #tpu.memory_space<vmem>>, vector<16xf32>,
      %mul3A_198 = arith.mulf %gather3A, %get3A_194 : vector<16xf32>
      %mul3A_199 = arith.mulf %gather3A_60, %get3A_197 : vector<16xf32>
      %add3A_200 = arith.addf %mul3A_198, %mul3A_199 : vector<16xf32>
      %select_n3A_201 = arith.select %gt3A_63, %add3A_200, %get3A_194 : vector<16xi1>, vector<16xf32>
      %swap3A_202 = arith.index_cast %scan3A_58 : i32 to index
      %swap3A_203 = arith.constant 160 : index
      %swap3A_204 = tpu.vector_load %arg13[%swap3A_202, %swap3A_203] {strides = array<i32>} : memref<32x512xf32, #tpu.memory_space<vmem>>, vector<16xf32>,
      tpu.vector_store %arg13[%swap3A_202, %swap3A_203], %select_n3A_201 {strides = array<i32>} : memref<32x512xf32, #tpu.memory_space<vmem>>, vector<16xf32>,
      %get3A_205 = arith.index_cast %scan3A_58 : i32 to index
      %get3A_206 = arith.constant 176 : index
      %get3A_207 = tpu.vector_load %arg13[%get3A_205, %get3A_206] {strides = array<i32>} : memref<32x512xf32, #tpu.memory_space<vmem>>, vector<16xf32>,
      %get3A_208 = arith.index_cast %scan3A_58 : i32 to index
      %get3A_209 = arith.constant 192 : index
      %get3A_210 = tpu.vector_load %arg14[%get3A_208, %get3A_209] {strides = array<i32>} : memref<32x528xf32, #tpu.memory_space<vmem>>, vector<16xf32>,
      %mul3A_211 = arith.mulf %gather3A, %get3A_207 : vector<16xf32>
      %mul3A_212 = arith.mulf %gather3A_60, %get3A_210 : vector<16xf32>
      %add3A_213 = arith.addf %mul3A_211, %mul3A_212 : vector<16xf32>
      %select_n3A_214 = arith.select %gt3A_63, %add3A_213, %get3A_207 : vector<16xi1>, vector<16xf32>
      %swap3A_215 = arith.index_cast %scan3A_58 : i32 to index
      %swap3A_216 = arith.constant 176 : index
      %swap3A_217 = tpu.vector_load %arg13[%swap3A_215, %swap3A_216] {strides = array<i32>} : memref<32x512xf32, #tpu.memory_space<vmem>>, vector<16xf32>,
      tpu.vector_store %arg13[%swap3A_215, %swap3A_216], %select_n3A_214 {strides = array<i32>} : memref<32x512xf32, #tpu.memory_space<vmem>>, vector<16xf32>,
      %get3A_218 = arith.index_cast %scan3A_58 : i32 to index
      %get3A_219 = arith.constant 192 : index
      %get3A_220 = tpu.vector_load %arg13[%get3A_218, %get3A_219] {strides = array<i32>} : memref<32x512xf32, #tpu.memory_space<vmem>>, vector<16xf32>,
      %get3A_221 = arith.index_cast %scan3A_58 : i32 to index
      %get3A_222 = arith.constant 208 : index
      %get3A_223 = tpu.vector_load %arg14[%get3A_221, %get3A_222] {strides = array<i32>} : memref<32x528xf32, #tpu.memory_space<vmem>>, vector<16xf32>,
      %mul3A_224 = arith.mulf %gather3A, %get3A_220 : vector<16xf32>
      %mul3A_225 = arith.mulf %gather3A_60, %get3A_223 : vector<16xf32>
      %add3A_226 = arith.addf %mul3A_224, %mul3A_225 : vector<16xf32>
      %select_n3A_227 = arith.select %gt3A_63, %add3A_226, %get3A_220 : vector<16xi1>, vector<16xf32>
      %swap3A_228 = arith.index_cast %scan3A_58 : i32 to index
      %swap3A_229 = arith.constant 192 : index
      %swap3A_230 = tpu.vector_load %arg13[%swap3A_228, %swap3A_229] {strides = array<i32>} : memref<32x512xf32, #tpu.memory_space<vmem>>, vector<16xf32>,
      tpu.vector_store %arg13[%swap3A_228, %swap3A_229], %select_n3A_227 {strides = array<i32>} : memref<32x512xf32, #tpu.memory_space<vmem>>, vector<16xf32>,
      %get3A_231 = arith.index_cast %scan3A_58 : i32 to index
      %get3A_232 = arith.constant 208 : index
      %get3A_233 = tpu.vector_load %arg13[%get3A_231, %get3A_232] {strides = array<i32>} : memref<32x512xf32, #tpu.memory_space<vmem>>, vector<16xf32>,
      %get3A_234 = arith.index_cast %scan3A_58 : i32 to index
      %get3A_235 = arith.constant 224 : index
      %get3A_236 = tpu.vector_load %arg14[%get3A_234, %get3A_235] {strides = array<i32>} : memref<32x528xf32, #tpu.memory_space<vmem>>, vector<16xf32>,
      %mul3A_237 = arith.mulf %gather3A, %get3A_233 : vector<16xf32>
      %mul3A_238 = arith.mulf %gather3A_60, %get3A_236 : vector<16xf32>
      %add3A_239 = arith.addf %mul3A_237, %mul3A_238 : vector<16xf32>
      %select_n3A_240 = arith.select %gt3A_63, %add3A_239, %get3A_233 : vector<16xi1>, vector<16xf32>
      %swap3A_241 = arith.index_cast %scan3A_58 : i32 to index
      %swap3A_242 = arith.constant 208 : index
      %swap3A_243 = tpu.vector_load %arg13[%swap3A_241, %swap3A_242] {strides = array<i32>} : memref<32x512xf32, #tpu.memory_space<vmem>>, vector<16xf32>,
      tpu.vector_store %arg13[%swap3A_241, %swap3A_242], %select_n3A_240 {strides = array<i32>} : memref<32x512xf32, #tpu.memory_space<vmem>>, vector<16xf32>,
      %get3A_244 = arith.index_cast %scan3A_58 : i32 to index
      %get3A_245 = arith.constant 224 : index
      %get3A_246 = tpu.vector_load %arg13[%get3A_244, %get3A_245] {strides = array<i32>} : memref<32x512xf32, #tpu.memory_space<vmem>>, vector<16xf32>,
      %get3A_247 = arith.index_cast %scan3A_58 : i32 to index
      %get3A_248 = arith.constant 240 : index
      %get3A_249 = tpu.vector_load %arg14[%get3A_247, %get3A_248] {strides = array<i32>} : memref<32x528xf32, #tpu.memory_space<vmem>>, vector<16xf32>,
      %mul3A_250 = arith.mulf %gather3A, %get3A_246 : vector<16xf32>
      %mul3A_251 = arith.mulf %gather3A_60, %get3A_249 : vector<16xf32>
      %add3A_252 = arith.addf %mul3A_250, %mul3A_251 : vector<16xf32>
      %select_n3A_253 = arith.select %gt3A_63, %add3A_252, %get3A_246 : vector<16xi1>, vector<16xf32>
      %swap3A_254 = arith.index_cast %scan3A_58 : i32 to index
      %swap3A_255 = arith.constant 224 : index
      %swap3A_256 = tpu.vector_load %arg13[%swap3A_254, %swap3A_255] {strides = array<i32>} : memref<32x512xf32, #tpu.memory_space<vmem>>, vector<16xf32>,
      tpu.vector_store %arg13[%swap3A_254, %swap3A_255], %select_n3A_253 {strides = array<i32>} : memref<32x512xf32, #tpu.memory_space<vmem>>, vector<16xf32>,
      %get3A_257 = arith.index_cast %scan3A_58 : i32 to index
      %get3A_258 = arith.constant 240 : index
      %get3A_259 = tpu.vector_load %arg13[%get3A_257, %get3A_258] {strides = array<i32>} : memref<32x512xf32, #tpu.memory_space<vmem>>, vector<16xf32>,
      %get3A_260 = arith.index_cast %scan3A_58 : i32 to index
      %get3A_261 = arith.constant 256 : index
      %get3A_262 = tpu.vector_load %arg14[%get3A_260, %get3A_261] {strides = array<i32>} : memref<32x528xf32, #tpu.memory_space<vmem>>, vector<16xf32>,
      %mul3A_263 = arith.mulf %gather3A, %get3A_259 : vector<16xf32>
      %mul3A_264 = arith.mulf %gather3A_60, %get3A_262 : vector<16xf32>
      %add3A_265 = arith.addf %mul3A_263, %mul3A_264 : vector<16xf32>
      %select_n3A_266 = arith.select %gt3A_63, %add3A_265, %get3A_259 : vector<16xi1>, vector<16xf32>
      %swap3A_267 = arith.index_cast %scan3A_58 : i32 to index
      %swap3A_268 = arith.constant 240 : index
      %swap3A_269 = tpu.vector_load %arg13[%swap3A_267, %swap3A_268] {strides = array<i32>} : memref<32x512xf32, #tpu.memory_space<vmem>>, vector<16xf32>,
      tpu.vector_store %arg13[%swap3A_267, %swap3A_268], %select_n3A_266 {strides = array<i32>} : memref<32x512xf32, #tpu.memory_space<vmem>>, vector<16xf32>,
      %get3A_270 = arith.index_cast %scan3A_58 : i32 to index
      %get3A_271 = arith.constant 256 : index
      %get3A_272 = tpu.vector_load %arg13[%get3A_270, %get3A_271] {strides = array<i32>} : memref<32x512xf32, #tpu.memory_space<vmem>>, vector<16xf32>,
      %get3A_273 = arith.index_cast %scan3A_58 : i32 to index
      %get3A_274 = arith.constant 272 : index
      %get3A_275 = tpu.vector_load %arg14[%get3A_273, %get3A_274] {strides = array<i32>} : memref<32x528xf32, #tpu.memory_space<vmem>>, vector<16xf32>,
      %mul3A_276 = arith.mulf %gather3A, %get3A_272 : vector<16xf32>
      %mul3A_277 = arith.mulf %gather3A_60, %get3A_275 : vector<16xf32>
      %add3A_278 = arith.addf %mul3A_276, %mul3A_277 : vector<16xf32>
      %select_n3A_279 = arith.select %gt3A_63, %add3A_278, %get3A_272 : vector<16xi1>, vector<16xf32>
      %swap3A_280 = arith.index_cast %scan3A_58 : i32 to index
      %swap3A_281 = arith.constant 256 : index
      %swap3A_282 = tpu.vector_load %arg13[%swap3A_280, %swap3A_281] {strides = array<i32>} : memref<32x512xf32, #tpu.memory_space<vmem>>, vector<16xf32>,
      tpu.vector_store %arg13[%swap3A_280, %swap3A_281], %select_n3A_279 {strides = array<i32>} : memref<32x512xf32, #tpu.memory_space<vmem>>, vector<16xf32>,
      %get3A_283 = arith.index_cast %scan3A_58 : i32 to index
      %get3A_284 = arith.constant 272 : index
      %get3A_285 = tpu.vector_load %arg13[%get3A_283, %get3A_284] {strides = array<i32>} : memref<32x512xf32, #tpu.memory_space<vmem>>, vector<16xf32>,
      %get3A_286 = arith.index_cast %scan3A_58 : i32 to index
      %get3A_287 = arith.constant 288 : index
      %get3A_288 = tpu.vector_load %arg14[%get3A_286, %get3A_287] {strides = array<i32>} : memref<32x528xf32, #tpu.memory_space<vmem>>, vector<16xf32>,
      %mul3A_289 = arith.mulf %gather3A, %get3A_285 : vector<16xf32>
      %mul3A_290 = arith.mulf %gather3A_60, %get3A_288 : vector<16xf32>
      %add3A_291 = arith.addf %mul3A_289, %mul3A_290 : vector<16xf32>
      %select_n3A_292 = arith.select %gt3A_63, %add3A_291, %get3A_285 : vector<16xi1>, vector<16xf32>
      %swap3A_293 = arith.index_cast %scan3A_58 : i32 to index
      %swap3A_294 = arith.constant 272 : index
      %swap3A_295 = tpu.vector_load %arg13[%swap3A_293, %swap3A_294] {strides = array<i32>} : memref<32x512xf32, #tpu.memory_space<vmem>>, vector<16xf32>,
      tpu.vector_store %arg13[%swap3A_293, %swap3A_294], %select_n3A_292 {strides = array<i32>} : memref<32x512xf32, #tpu.memory_space<vmem>>, vector<16xf32>,
      %get3A_296 = arith.index_cast %scan3A_58 : i32 to index
      %get3A_297 = arith.constant 288 : index
      %get3A_298 = tpu.vector_load %arg13[%get3A_296, %get3A_297] {strides = array<i32>} : memref<32x512xf32, #tpu.memory_space<vmem>>, vector<16xf32>,
      %get3A_299 = arith.index_cast %scan3A_58 : i32 to index
      %get3A_300 = arith.constant 304 : index
      %get3A_301 = tpu.vector_load %arg14[%get3A_299, %get3A_300] {strides = array<i32>} : memref<32x528xf32, #tpu.memory_space<vmem>>, vector<16xf32>,
      %mul3A_302 = arith.mulf %gather3A, %get3A_298 : vector<16xf32>
      %mul3A_303 = arith.mulf %gather3A_60, %get3A_301 : vector<16xf32>
      %add3A_304 = arith.addf %mul3A_302, %mul3A_303 : vector<16xf32>
      %select_n3A_305 = arith.select %gt3A_63, %add3A_304, %get3A_298 : vector<16xi1>, vector<16xf32>
      %swap3A_306 = arith.index_cast %scan3A_58 : i32 to index
      %swap3A_307 = arith.constant 288 : index
      %swap3A_308 = tpu.vector_load %arg13[%swap3A_306, %swap3A_307] {strides = array<i32>} : memref<32x512xf32, #tpu.memory_space<vmem>>, vector<16xf32>,
      tpu.vector_store %arg13[%swap3A_306, %swap3A_307], %select_n3A_305 {strides = array<i32>} : memref<32x512xf32, #tpu.memory_space<vmem>>, vector<16xf32>,
      %get3A_309 = arith.index_cast %scan3A_58 : i32 to index
      %get3A_310 = arith.constant 304 : index
      %get3A_311 = tpu.vector_load %arg13[%get3A_309, %get3A_310] {strides = array<i32>} : memref<32x512xf32, #tpu.memory_space<vmem>>, vector<16xf32>,
      %get3A_312 = arith.index_cast %scan3A_58 : i32 to index
      %get3A_313 = arith.constant 320 : index
      %get3A_314 = tpu.vector_load %arg14[%get3A_312, %get3A_313] {strides = array<i32>} : memref<32x528xf32, #tpu.memory_space<vmem>>, vector<16xf32>,
      %mul3A_315 = arith.mulf %gather3A, %get3A_311 : vector<16xf32>
      %mul3A_316 = arith.mulf %gather3A_60, %get3A_314 : vector<16xf32>
      %add3A_317 = arith.addf %mul3A_315, %mul3A_316 : vector<16xf32>
      %select_n3A_318 = arith.select %gt3A_63, %add3A_317, %get3A_311 : vector<16xi1>, vector<16xf32>
      %swap3A_319 = arith.index_cast %scan3A_58 : i32 to index
      %swap3A_320 = arith.constant 304 : index
      %swap3A_321 = tpu.vector_load %arg13[%swap3A_319, %swap3A_320] {strides = array<i32>} : memref<32x512xf32, #tpu.memory_space<vmem>>, vector<16xf32>,
      tpu.vector_store %arg13[%swap3A_319, %swap3A_320], %select_n3A_318 {strides = array<i32>} : memref<32x512xf32, #tpu.memory_space<vmem>>, vector<16xf32>,
      %get3A_322 = arith.index_cast %scan3A_58 : i32 to index
      %get3A_323 = arith.constant 320 : index
      %get3A_324 = tpu.vector_load %arg13[%get3A_322, %get3A_323] {strides = array<i32>} : memref<32x512xf32, #tpu.memory_space<vmem>>, vector<16xf32>,
      %get3A_325 = arith.index_cast %scan3A_58 : i32 to index
      %get3A_326 = arith.constant 336 : index
      %get3A_327 = tpu.vector_load %arg14[%get3A_325, %get3A_326] {strides = array<i32>} : memref<32x528xf32, #tpu.memory_space<vmem>>, vector<16xf32>,
      %mul3A_328 = arith.mulf %gather3A, %get3A_324 : vector<16xf32>
      %mul3A_329 = arith.mulf %gather3A_60, %get3A_327 : vector<16xf32>
      %add3A_330 = arith.addf %mul3A_328, %mul3A_329 : vector<16xf32>
      %select_n3A_331 = arith.select %gt3A_63, %add3A_330, %get3A_324 : vector<16xi1>, vector<16xf32>
      %swap3A_332 = arith.index_cast %scan3A_58 : i32 to index
      %swap3A_333 = arith.constant 320 : index
      %swap3A_334 = tpu.vector_load %arg13[%swap3A_332, %swap3A_333] {strides = array<i32>} : memref<32x512xf32, #tpu.memory_space<vmem>>, vector<16xf32>,
      tpu.vector_store %arg13[%swap3A_332, %swap3A_333], %select_n3A_331 {strides = array<i32>} : memref<32x512xf32, #tpu.memory_space<vmem>>, vector<16xf32>,
      %get3A_335 = arith.index_cast %scan3A_58 : i32 to index
      %get3A_336 = arith.constant 336 : index
      %get3A_337 = tpu.vector_load %arg13[%get3A_335, %get3A_336] {strides = array<i32>} : memref<32x512xf32, #tpu.memory_space<vmem>>, vector<16xf32>,
      %get3A_338 = arith.index_cast %scan3A_58 : i32 to index
      %get3A_339 = arith.constant 352 : index
      %get3A_340 = tpu.vector_load %arg14[%get3A_338, %get3A_339] {strides = array<i32>} : memref<32x528xf32, #tpu.memory_space<vmem>>, vector<16xf32>,
      %mul3A_341 = arith.mulf %gather3A, %get3A_337 : vector<16xf32>
      %mul3A_342 = arith.mulf %gather3A_60, %get3A_340 : vector<16xf32>
      %add3A_343 = arith.addf %mul3A_341, %mul3A_342 : vector<16xf32>
      %select_n3A_344 = arith.select %gt3A_63, %add3A_343, %get3A_337 : vector<16xi1>, vector<16xf32>
      %swap3A_345 = arith.index_cast %scan3A_58 : i32 to index
      %swap3A_346 = arith.constant 336 : index
      %swap3A_347 = tpu.vector_load %arg13[%swap3A_345, %swap3A_346] {strides = array<i32>} : memref<32x512xf32, #tpu.memory_space<vmem>>, vector<16xf32>,
      tpu.vector_store %arg13[%swap3A_345, %swap3A_346], %select_n3A_344 {strides = array<i32>} : memref<32x512xf32, #tpu.memory_space<vmem>>, vector<16xf32>,
      %get3A_348 = arith.index_cast %scan3A_58 : i32 to index
      %get3A_349 = arith.constant 352 : index
      %get3A_350 = tpu.vector_load %arg13[%get3A_348, %get3A_349] {strides = array<i32>} : memref<32x512xf32, #tpu.memory_space<vmem>>, vector<16xf32>,
      %get3A_351 = arith.index_cast %scan3A_58 : i32 to index
      %get3A_352 = arith.constant 368 : index
      %get3A_353 = tpu.vector_load %arg14[%get3A_351, %get3A_352] {strides = array<i32>} : memref<32x528xf32, #tpu.memory_space<vmem>>, vector<16xf32>,
      %mul3A_354 = arith.mulf %gather3A, %get3A_350 : vector<16xf32>
      %mul3A_355 = arith.mulf %gather3A_60, %get3A_353 : vector<16xf32>
      %add3A_356 = arith.addf %mul3A_354, %mul3A_355 : vector<16xf32>
      %select_n3A_357 = arith.select %gt3A_63, %add3A_356, %get3A_350 : vector<16xi1>, vector<16xf32>
      %swap3A_358 = arith.index_cast %scan3A_58 : i32 to index
      %swap3A_359 = arith.constant 352 : index
      %swap3A_360 = tpu.vector_load %arg13[%swap3A_358, %swap3A_359] {strides = array<i32>} : memref<32x512xf32, #tpu.memory_space<vmem>>, vector<16xf32>,
      tpu.vector_store %arg13[%swap3A_358, %swap3A_359], %select_n3A_357 {strides = array<i32>} : memref<32x512xf32, #tpu.memory_space<vmem>>, vector<16xf32>,
      %get3A_361 = arith.index_cast %scan3A_58 : i32 to index
      %get3A_362 = arith.constant 368 : index
      %get3A_363 = tpu.vector_load %arg13[%get3A_361, %get3A_362] {strides = array<i32>} : memref<32x512xf32, #tpu.memory_space<vmem>>, vector<16xf32>,
      %get3A_364 = arith.index_cast %scan3A_58 : i32 to index
      %get3A_365 = arith.constant 384 : index
      %get3A_366 = tpu.vector_load %arg14[%get3A_364, %get3A_365] {strides = array<i32>} : memref<32x528xf32, #tpu.memory_space<vmem>>, vector<16xf32>,
      %mul3A_367 = arith.mulf %gather3A, %get3A_363 : vector<16xf32>
      %mul3A_368 = arith.mulf %gather3A_60, %get3A_366 : vector<16xf32>
      %add3A_369 = arith.addf %mul3A_367, %mul3A_368 : vector<16xf32>
      %select_n3A_370 = arith.select %gt3A_63, %add3A_369, %get3A_363 : vector<16xi1>, vector<16xf32>
      %swap3A_371 = arith.index_cast %scan3A_58 : i32 to index
      %swap3A_372 = arith.constant 368 : index
      %swap3A_373 = tpu.vector_load %arg13[%swap3A_371, %swap3A_372] {strides = array<i32>} : memref<32x512xf32, #tpu.memory_space<vmem>>, vector<16xf32>,
      tpu.vector_store %arg13[%swap3A_371, %swap3A_372], %select_n3A_370 {strides = array<i32>} : memref<32x512xf32, #tpu.memory_space<vmem>>, vector<16xf32>,
      %get3A_374 = arith.index_cast %scan3A_58 : i32 to index
      %get3A_375 = arith.constant 384 : index
      %get3A_376 = tpu.vector_load %arg13[%get3A_374, %get3A_375] {strides = array<i32>} : memref<32x512xf32, #tpu.memory_space<vmem>>, vector<16xf32>,
      %get3A_377 = arith.index_cast %scan3A_58 : i32 to index
      %get3A_378 = arith.constant 400 : index
      %get3A_379 = tpu.vector_load %arg14[%get3A_377, %get3A_378] {strides = array<i32>} : memref<32x528xf32, #tpu.memory_space<vmem>>, vector<16xf32>,
      %mul3A_380 = arith.mulf %gather3A, %get3A_376 : vector<16xf32>
      %mul3A_381 = arith.mulf %gather3A_60, %get3A_379 : vector<16xf32>
      %add3A_382 = arith.addf %mul3A_380, %mul3A_381 : vector<16xf32>
      %select_n3A_383 = arith.select %gt3A_63, %add3A_382, %get3A_376 : vector<16xi1>, vector<16xf32>
      %swap3A_384 = arith.index_cast %scan3A_58 : i32 to index
      %swap3A_385 = arith.constant 384 : index
      %swap3A_386 = tpu.vector_load %arg13[%swap3A_384, %swap3A_385] {strides = array<i32>} : memref<32x512xf32, #tpu.memory_space<vmem>>, vector<16xf32>,
      tpu.vector_store %arg13[%swap3A_384, %swap3A_385], %select_n3A_383 {strides = array<i32>} : memref<32x512xf32, #tpu.memory_space<vmem>>, vector<16xf32>,
      %get3A_387 = arith.index_cast %scan3A_58 : i32 to index
      %get3A_388 = arith.constant 400 : index
      %get3A_389 = tpu.vector_load %arg13[%get3A_387, %get3A_388] {strides = array<i32>} : memref<32x512xf32, #tpu.memory_space<vmem>>, vector<16xf32>,
      %get3A_390 = arith.index_cast %scan3A_58 : i32 to index
      %get3A_391 = arith.constant 416 : index
      %get3A_392 = tpu.vector_load %arg14[%get3A_390, %get3A_391] {strides = array<i32>} : memref<32x528xf32, #tpu.memory_space<vmem>>, vector<16xf32>,
      %mul3A_393 = arith.mulf %gather3A, %get3A_389 : vector<16xf32>
      %mul3A_394 = arith.mulf %gather3A_60, %get3A_392 : vector<16xf32>
      %add3A_395 = arith.addf %mul3A_393, %mul3A_394 : vector<16xf32>
      %select_n3A_396 = arith.select %gt3A_63, %add3A_395, %get3A_389 : vector<16xi1>, vector<16xf32>
      %swap3A_397 = arith.index_cast %scan3A_58 : i32 to index
      %swap3A_398 = arith.constant 400 : index
      %swap3A_399 = tpu.vector_load %arg13[%swap3A_397, %swap3A_398] {strides = array<i32>} : memref<32x512xf32, #tpu.memory_space<vmem>>, vector<16xf32>,
      tpu.vector_store %arg13[%swap3A_397, %swap3A_398], %select_n3A_396 {strides = array<i32>} : memref<32x512xf32, #tpu.memory_space<vmem>>, vector<16xf32>,
      %get3A_400 = arith.index_cast %scan3A_58 : i32 to index
      %get3A_401 = arith.constant 416 : index
      %get3A_402 = tpu.vector_load %arg13[%get3A_400, %get3A_401] {strides = array<i32>} : memref<32x512xf32, #tpu.memory_space<vmem>>, vector<16xf32>,
      %get3A_403 = arith.index_cast %scan3A_58 : i32 to index
      %get3A_404 = arith.constant 432 : index
      %get3A_405 = tpu.vector_load %arg14[%get3A_403, %get3A_404] {strides = array<i32>} : memref<32x528xf32, #tpu.memory_space<vmem>>, vector<16xf32>,
      %mul3A_406 = arith.mulf %gather3A, %get3A_402 : vector<16xf32>
      %mul3A_407 = arith.mulf %gather3A_60, %get3A_405 : vector<16xf32>
      %add3A_408 = arith.addf %mul3A_406, %mul3A_407 : vector<16xf32>
      %select_n3A_409 = arith.select %gt3A_63, %add3A_408, %get3A_402 : vector<16xi1>, vector<16xf32>
      %swap3A_410 = arith.index_cast %scan3A_58 : i32 to index
      %swap3A_411 = arith.constant 416 : index
      %swap3A_412 = tpu.vector_load %arg13[%swap3A_410, %swap3A_411] {strides = array<i32>} : memref<32x512xf32, #tpu.memory_space<vmem>>, vector<16xf32>,
      tpu.vector_store %arg13[%swap3A_410, %swap3A_411], %select_n3A_409 {strides = array<i32>} : memref<32x512xf32, #tpu.memory_space<vmem>>, vector<16xf32>,
      %get3A_413 = arith.index_cast %scan3A_58 : i32 to index
      %get3A_414 = arith.constant 432 : index
      %get3A_415 = tpu.vector_load %arg13[%get3A_413, %get3A_414] {strides = array<i32>} : memref<32x512xf32, #tpu.memory_space<vmem>>, vector<16xf32>,
      %get3A_416 = arith.index_cast %scan3A_58 : i32 to index
      %get3A_417 = arith.constant 448 : index
      %get3A_418 = tpu.vector_load %arg14[%get3A_416, %get3A_417] {strides = array<i32>} : memref<32x528xf32, #tpu.memory_space<vmem>>, vector<16xf32>,
      %mul3A_419 = arith.mulf %gather3A, %get3A_415 : vector<16xf32>
      %mul3A_420 = arith.mulf %gather3A_60, %get3A_418 : vector<16xf32>
      %add3A_421 = arith.addf %mul3A_419, %mul3A_420 : vector<16xf32>
      %select_n3A_422 = arith.select %gt3A_63, %add3A_421, %get3A_415 : vector<16xi1>, vector<16xf32>
      %swap3A_423 = arith.index_cast %scan3A_58 : i32 to index
      %swap3A_424 = arith.constant 432 : index
      %swap3A_425 = tpu.vector_load %arg13[%swap3A_423, %swap3A_424] {strides = array<i32>} : memref<32x512xf32, #tpu.memory_space<vmem>>, vector<16xf32>,
      tpu.vector_store %arg13[%swap3A_423, %swap3A_424], %select_n3A_422 {strides = array<i32>} : memref<32x512xf32, #tpu.memory_space<vmem>>, vector<16xf32>,
      %get3A_426 = arith.index_cast %scan3A_58 : i32 to index
      %get3A_427 = arith.constant 448 : index
      %get3A_428 = tpu.vector_load %arg13[%get3A_426, %get3A_427] {strides = array<i32>} : memref<32x512xf32, #tpu.memory_space<vmem>>, vector<16xf32>,
      %get3A_429 = arith.index_cast %scan3A_58 : i32 to index
      %get3A_430 = arith.constant 464 : index
      %get3A_431 = tpu.vector_load %arg14[%get3A_429, %get3A_430] {strides = array<i32>} : memref<32x528xf32, #tpu.memory_space<vmem>>, vector<16xf32>,
      %mul3A_432 = arith.mulf %gather3A, %get3A_428 : vector<16xf32>
      %mul3A_433 = arith.mulf %gather3A_60, %get3A_431 : vector<16xf32>
      %add3A_434 = arith.addf %mul3A_432, %mul3A_433 : vector<16xf32>
      %select_n3A_435 = arith.select %gt3A_63, %add3A_434, %get3A_428 : vector<16xi1>, vector<16xf32>
      %swap3A_436 = arith.index_cast %scan3A_58 : i32 to index
      %swap3A_437 = arith.constant 448 : index
      %swap3A_438 = tpu.vector_load %arg13[%swap3A_436, %swap3A_437] {strides = array<i32>} : memref<32x512xf32, #tpu.memory_space<vmem>>, vector<16xf32>,
      tpu.vector_store %arg13[%swap3A_436, %swap3A_437], %select_n3A_435 {strides = array<i32>} : memref<32x512xf32, #tpu.memory_space<vmem>>, vector<16xf32>,
      %get3A_439 = arith.index_cast %scan3A_58 : i32 to index
      %get3A_440 = arith.constant 464 : index
      %get3A_441 = tpu.vector_load %arg13[%get3A_439, %get3A_440] {strides = array<i32>} : memref<32x512xf32, #tpu.memory_space<vmem>>, vector<16xf32>,
      %get3A_442 = arith.index_cast %scan3A_58 : i32 to index
      %get3A_443 = arith.constant 480 : index
      %get3A_444 = tpu.vector_load %arg14[%get3A_442, %get3A_443] {strides = array<i32>} : memref<32x528xf32, #tpu.memory_space<vmem>>, vector<16xf32>,
      %mul3A_445 = arith.mulf %gather3A, %get3A_441 : vector<16xf32>
      %mul3A_446 = arith.mulf %gather3A_60, %get3A_444 : vector<16xf32>
      %add3A_447 = arith.addf %mul3A_445, %mul3A_446 : vector<16xf32>
      %select_n3A_448 = arith.select %gt3A_63, %add3A_447, %get3A_441 : vector<16xi1>, vector<16xf32>
      %swap3A_449 = arith.index_cast %scan3A_58 : i32 to index
      %swap3A_450 = arith.constant 464 : index
      %swap3A_451 = tpu.vector_load %arg13[%swap3A_449, %swap3A_450] {strides = array<i32>} : memref<32x512xf32, #tpu.memory_space<vmem>>, vector<16xf32>,
      tpu.vector_store %arg13[%swap3A_449, %swap3A_450], %select_n3A_448 {strides = array<i32>} : memref<32x512xf32, #tpu.memory_space<vmem>>, vector<16xf32>,
      %get3A_452 = arith.index_cast %scan3A_58 : i32 to index
      %get3A_453 = arith.constant 480 : index
      %get3A_454 = tpu.vector_load %arg13[%get3A_452, %get3A_453] {strides = array<i32>} : memref<32x512xf32, #tpu.memory_space<vmem>>, vector<16xf32>,
      %get3A_455 = arith.index_cast %scan3A_58 : i32 to index
      %get3A_456 = arith.constant 496 : index
      %get3A_457 = tpu.vector_load %arg14[%get3A_455, %get3A_456] {strides = array<i32>} : memref<32x528xf32, #tpu.memory_space<vmem>>, vector<16xf32>,
      %mul3A_458 = arith.mulf %gather3A, %get3A_454 : vector<16xf32>
      %mul3A_459 = arith.mulf %gather3A_60, %get3A_457 : vector<16xf32>
      %add3A_460 = arith.addf %mul3A_458, %mul3A_459 : vector<16xf32>
      %select_n3A_461 = arith.select %gt3A_63, %add3A_460, %get3A_454 : vector<16xi1>, vector<16xf32>
      %swap3A_462 = arith.index_cast %scan3A_58 : i32 to index
      %swap3A_463 = arith.constant 480 : index
      %swap3A_464 = tpu.vector_load %arg13[%swap3A_462, %swap3A_463] {strides = array<i32>} : memref<32x512xf32, #tpu.memory_space<vmem>>, vector<16xf32>,
      tpu.vector_store %arg13[%swap3A_462, %swap3A_463], %select_n3A_461 {strides = array<i32>} : memref<32x512xf32, #tpu.memory_space<vmem>>, vector<16xf32>,
      %get3A_465 = arith.index_cast %scan3A_58 : i32 to index
      %get3A_466 = arith.constant 496 : index
      %get3A_467 = tpu.vector_load %arg13[%get3A_465, %get3A_466] {strides = array<i32>} : memref<32x512xf32, #tpu.memory_space<vmem>>, vector<16xf32>,
      %get3A_468 = arith.index_cast %scan3A_58 : i32 to index
      %get3A_469 = arith.constant 512 : index
      %get3A_470 = tpu.vector_load %arg14[%get3A_468, %get3A_469] {strides = array<i32>} : memref<32x528xf32, #tpu.memory_space<vmem>>, vector<16xf32>,
      %mul3A_471 = arith.mulf %gather3A, %get3A_467 : vector<16xf32>
      %mul3A_472 = arith.mulf %gather3A_60, %get3A_470 : vector<16xf32>
      %add3A_473 = arith.addf %mul3A_471, %mul3A_472 : vector<16xf32>
      %select_n3A_474 = arith.select %gt3A_63, %add3A_473, %get3A_467 : vector<16xi1>, vector<16xf32>
      %swap3A_475 = arith.index_cast %scan3A_58 : i32 to index
      %swap3A_476 = arith.constant 496 : index
      %swap3A_477 = tpu.vector_load %arg13[%swap3A_475, %swap3A_476] {strides = array<i32>} : memref<32x512xf32, #tpu.memory_space<vmem>>, vector<16xf32>,
      tpu.vector_store %arg13[%swap3A_475, %swap3A_476], %select_n3A_474 {strides = array<i32>} : memref<32x512xf32, #tpu.memory_space<vmem>>, vector<16xf32>,
    }
    %scan3A_45 = arith.constant 32 : i32
    %mul3A_46 = arith.constant 488 : i32
    %mul3A_47 = arith.muli %arg0, %mul3A_46 : i32
    "tpu.region"() ({
      %run_scoped3A = tpu.sem_alloc : memref<!tpu.dma_semaphore, #tpu.memory_space<semaphore_mem>>
      %dma_start3A = tpu.memref_slice %arg7[%add3A_39, %mul3A_47] : memref<1000x1000xf32, #tpu.memory_space<hbm>> -> memref<32x512xf32, #tpu.memory_space<hbm>>
      %dma_start3A_58 = tpu.memref_slice %arg7[%add3A_39, %mul3A_47] : memref<1000x1000xf32, #tpu.memory_space<hbm>> -> memref<32x512xf32, #tpu.memory_space<hbm>>
      tpu.enqueue_dma source(%arg13 : memref<32x512xf32, #tpu.memory_space<vmem>>) target(%dma_start3A_58 : memref<32x512xf32, #tpu.memory_space<hbm>>) target_semaphore(%run_scoped3A : memref<!tpu.dma_semaphore, #tpu.memory_space<semaphore_mem>>)
      %dma_wait3A = tpu.memref_slice %arg7[%add3A_39, %mul3A_47] : memref<1000x1000xf32, #tpu.memory_space<hbm>> -> memref<32x512xf32, #tpu.memory_space<hbm>>
      %dma_wait3A_59 = tpu.memref_slice %arg7[%add3A_39, %mul3A_47] : memref<1000x1000xf32, #tpu.memory_space<hbm>> -> memref<32x512xf32, #tpu.memory_space<hbm>>
      tpu.wait_dma2 semaphore(%run_scoped3A : memref<!tpu.dma_semaphore, #tpu.memory_space<semaphore_mem>>) src(%arg13 : memref<32x512xf32, #tpu.memory_space<vmem>>) dst(%dma_wait3A_59 : memref<32x512xf32, #tpu.memory_space<hbm>>)
      tpu.yield
    }) : () -> ()
    %add3A_48 = arith.constant 32 : i32
    %add3A_49 = arith.addi %min3A_35, %add3A_48 : i32
    "tpu.region"() ({
      %run_scoped3A = tpu.sem_alloc : memref<!tpu.dma_semaphore, #tpu.memory_space<semaphore_mem>>
      %dma_start3A = tpu.memref_slice %arg4[%add3A_49, %mul3A_0] : memref<1000x1000xf32, #tpu.memory_space<hbm>> -> memref<32x512xf32, #tpu.memory_space<hbm>>
      %dma_start3A_58 = tpu.memref_slice %arg4[%add3A_49, %mul3A_0] : memref<1000x1000xf32, #tpu.memory_space<hbm>> -> memref<32x512xf32, #tpu.memory_space<hbm>>
      tpu.enqueue_dma source(%dma_start3A_58 : memref<32x512xf32, #tpu.memory_space<hbm>>) target(%arg13 : memref<32x512xf32, #tpu.memory_space<vmem>>) target_semaphore(%run_scoped3A : memref<!tpu.dma_semaphore, #tpu.memory_space<semaphore_mem>>)
      %dma_wait3A = tpu.memref_slice %arg4[%add3A_49, %mul3A_0] : memref<1000x1000xf32, #tpu.memory_space<hbm>> -> memref<32x512xf32, #tpu.memory_space<hbm>>
      %dma_wait3A_59 = tpu.memref_slice %arg4[%add3A_49, %mul3A_0] : memref<1000x1000xf32, #tpu.memory_space<hbm>> -> memref<32x512xf32, #tpu.memory_space<hbm>>
      tpu.wait_dma2 semaphore(%run_scoped3A : memref<!tpu.dma_semaphore, #tpu.memory_space<semaphore_mem>>) src(%dma_wait3A_59 : memref<32x512xf32, #tpu.memory_space<hbm>>) dst(%arg13 : memref<32x512xf32, #tpu.memory_space<vmem>>)
      tpu.yield
    }) : () -> ()
    "tpu.region"() ({
      %run_scoped3A = tpu.sem_alloc : memref<!tpu.dma_semaphore, #tpu.memory_space<semaphore_mem>>
      %dma_start3A = arith.constant 0 : i32
      %dma_start3A_58 = tpu.memref_slice %arg8[%add3A_49, %dma_start3A] : memref<1008x528xf32, #tpu.memory_space<vmem_shared>> -> memref<32x528xf32, #tpu.memory_space<vmem_shared>>
      %dma_start3A_59 = arith.constant 0 : i32
      %dma_start3A_60 = tpu.memref_slice %arg8[%add3A_49, %dma_start3A_59] : memref<1008x528xf32, #tpu.memory_space<vmem_shared>> -> memref<32x528xf32, #tpu.memory_space<vmem_shared>>
      tpu.enqueue_dma source(%dma_start3A_60 : memref<32x528xf32, #tpu.memory_space<vmem_shared>>) target(%arg14 : memref<32x528xf32, #tpu.memory_space<vmem>>) target_semaphore(%run_scoped3A : memref<!tpu.dma_semaphore, #tpu.memory_space<semaphore_mem>>)
      %dma_wait3A = arith.constant 0 : i32
      %dma_wait3A_61 = tpu.memref_slice %arg8[%add3A_49, %dma_wait3A] : memref<1008x528xf32, #tpu.memory_space<vmem_shared>> -> memref<32x528xf32, #tpu.memory_space<vmem_shared>>
      %dma_wait3A_62 = arith.constant 0 : i32
      %dma_wait3A_63 = tpu.memref_slice %arg8[%add3A_49, %dma_wait3A_62] : memref<1008x528xf32, #tpu.memory_space<vmem_shared>> -> memref<32x528xf32, #tpu.memory_space<vmem_shared>>
      tpu.wait_dma2 semaphore(%run_scoped3A : memref<!tpu.dma_semaphore, #tpu.memory_space<semaphore_mem>>) src(%dma_wait3A_63 : memref<32x528xf32, #tpu.memory_space<vmem_shared>>) dst(%arg14 : memref<32x528xf32, #tpu.memory_space<vmem>>)
      tpu.yield
    }) : () -> ()
    "tpu.region"() ({
      %run_scoped3A = tpu.sem_alloc : memref<!tpu.dma_semaphore, #tpu.memory_space<semaphore_mem>>
      %dma_start3A = arith.constant 0 : i32
      %dma_start3A_58 = tpu.memref_slice %arg5[%add3A_49, %dma_start3A] : memref<1000x1xf32, #tpu.memory_space<hbm>> -> memref<32x1xf32, #tpu.memory_space<hbm>>
      %dma_start3A_59 = arith.constant 0 : i32
      %dma_start3A_60 = tpu.memref_slice %arg5[%add3A_49, %dma_start3A_59] : memref<1000x1xf32, #tpu.memory_space<hbm>> -> memref<32x1xf32, #tpu.memory_space<hbm>>
      tpu.enqueue_dma source(%dma_start3A_60 : memref<32x1xf32, #tpu.memory_space<hbm>>) target(%arg15 : memref<32x1xf32, #tpu.memory_space<vmem>>) target_semaphore(%run_scoped3A : memref<!tpu.dma_semaphore, #tpu.memory_space<semaphore_mem>>)
      %dma_wait3A = arith.constant 0 : i32
      %dma_wait3A_61 = tpu.memref_slice %arg5[%add3A_49, %dma_wait3A] : memref<1000x1xf32, #tpu.memory_space<hbm>> -> memref<32x1xf32, #tpu.memory_space<hbm>>
      %dma_wait3A_62 = arith.constant 0 : i32
      %dma_wait3A_63 = tpu.memref_slice %arg5[%add3A_49, %dma_wait3A_62] : memref<1000x1xf32, #tpu.memory_space<hbm>> -> memref<32x1xf32, #tpu.memory_space<hbm>>
      tpu.wait_dma2 semaphore(%run_scoped3A : memref<!tpu.dma_semaphore, #tpu.memory_space<semaphore_mem>>) src(%dma_wait3A_63 : memref<32x1xf32, #tpu.memory_space<hbm>>) dst(%arg15 : memref<32x1xf32, #tpu.memory_space<vmem>>)
      tpu.yield
    }) : () -> ()
    "tpu.region"() ({
      %run_scoped3A = tpu.sem_alloc : memref<!tpu.dma_semaphore, #tpu.memory_space<semaphore_mem>>
      %dma_start3A = arith.constant 0 : i32
      %dma_start3A_58 = tpu.memref_slice %arg6[%add3A_49, %dma_start3A] : memref<1000x1xf32, #tpu.memory_space<hbm>> -> memref<32x1xf32, #tpu.memory_space<hbm>>
      %dma_start3A_59 = arith.constant 0 : i32
      %dma_start3A_60 = tpu.memref_slice %arg6[%add3A_49, %dma_start3A_59] : memref<1000x1xf32, #tpu.memory_space<hbm>> -> memref<32x1xf32, #tpu.memory_space<hbm>>
      tpu.enqueue_dma source(%dma_start3A_60 : memref<32x1xf32, #tpu.memory_space<hbm>>) target(%arg16 : memref<32x1xf32, #tpu.memory_space<vmem>>) target_semaphore(%run_scoped3A : memref<!tpu.dma_semaphore, #tpu.memory_space<semaphore_mem>>)
      %dma_wait3A = arith.constant 0 : i32
      %dma_wait3A_61 = tpu.memref_slice %arg6[%add3A_49, %dma_wait3A] : memref<1000x1xf32, #tpu.memory_space<hbm>> -> memref<32x1xf32, #tpu.memory_space<hbm>>
      %dma_wait3A_62 = arith.constant 0 : i32
      %dma_wait3A_63 = tpu.memref_slice %arg6[%add3A_49, %dma_wait3A_62] : memref<1000x1xf32, #tpu.memory_space<hbm>> -> memref<32x1xf32, #tpu.memory_space<hbm>>
      tpu.wait_dma2 semaphore(%run_scoped3A : memref<!tpu.dma_semaphore, #tpu.memory_space<semaphore_mem>>) src(%dma_wait3A_63 : memref<32x1xf32, #tpu.memory_space<hbm>>) dst(%arg16 : memref<32x1xf32, #tpu.memory_space<vmem>>)
      tpu.yield
    }) : () -> ()
    %scan3A_50 = arith.constant 0 : i32
    %scan3A_51 = arith.constant 0 : i32
    %scan3A_52 = arith.constant 32 : i32
    %scan3A_53 = arith.addi %scan3A_51, %scan3A_52 : i32
    %scan3A_54 = arith.constant 1 : i32
    scf.for %scan3A_58 = %scan3A_51 to %scan3A_53 step %scan3A_54  : i32 {
      %broadcast_in_dim3A_59 = vector.broadcast %scan3A_58 : i32 to vector<16xi32>
      %gather3A = tpu.vector_load_idx %arg15[%broadcast_in_dim3A_59, %broadcast_in_dim3A_37] : memref<32x1xf32, #tpu.memory_space<vmem>>[vector<16xi32>, vector<16xi32>], vector<16xf32>,
      %gather3A_60 = tpu.vector_load_idx %arg16[%broadcast_in_dim3A_59, %broadcast_in_dim3A_37] : memref<32x1xf32, #tpu.memory_space<vmem>>[vector<16xi32>, vector<16xi32>], vector<16xf32>,
      %gather3A_61 = tpu.vector_load_idx %arg14[%broadcast_in_dim3A_59, %broadcast_in_dim3A_37] : memref<32x528xf32, #tpu.memory_space<vmem>>[vector<16xi32>, vector<16xi32>], vector<16xf32>,
      %gt3A = arith.constant 0.000000e+00 : f32
      %gt3A_62 = vector.broadcast %gt3A : f32 to vector<16xf32>
      %gt3A_63 = arith.cmpf ogt, %gather3A_61, %gt3A_62 : vector<16xf32>
      %get3A = arith.index_cast %scan3A_58 : i32 to index
      %get3A_64 = arith.constant 0 : index
      %get3A_65 = tpu.vector_load %arg13[%get3A, %get3A_64] {strides = array<i32>} : memref<32x512xf32, #tpu.memory_space<vmem>>, vector<16xf32>,
      %get3A_66 = arith.index_cast %scan3A_58 : i32 to index
      %get3A_67 = arith.constant 16 : index
      %get3A_68 = tpu.vector_load %arg14[%get3A_66, %get3A_67] {strides = array<i32>} : memref<32x528xf32, #tpu.memory_space<vmem>>, vector<16xf32>,
      %mul3A_69 = arith.mulf %gather3A, %get3A_65 : vector<16xf32>
      %mul3A_70 = arith.mulf %gather3A_60, %get3A_68 : vector<16xf32>
      %add3A_71 = arith.addf %mul3A_69, %mul3A_70 : vector<16xf32>
      %select_n3A_72 = arith.select %gt3A_63, %add3A_71, %get3A_65 : vector<16xi1>, vector<16xf32>
      %swap3A = arith.index_cast %scan3A_58 : i32 to index
      %swap3A_73 = arith.constant 0 : index
      %swap3A_74 = tpu.vector_load %arg13[%swap3A, %swap3A_73] {strides = array<i32>} : memref<32x512xf32, #tpu.memory_space<vmem>>, vector<16xf32>,
      tpu.vector_store %arg13[%swap3A, %swap3A_73], %select_n3A_72 {strides = array<i32>} : memref<32x512xf32, #tpu.memory_space<vmem>>, vector<16xf32>,
      %get3A_75 = arith.index_cast %scan3A_58 : i32 to index
      %get3A_76 = arith.constant 16 : index
      %get3A_77 = tpu.vector_load %arg13[%get3A_75, %get3A_76] {strides = array<i32>} : memref<32x512xf32, #tpu.memory_space<vmem>>, vector<16xf32>,
      %get3A_78 = arith.index_cast %scan3A_58 : i32 to index
      %get3A_79 = arith.constant 32 : index
      %get3A_80 = tpu.vector_load %arg14[%get3A_78, %get3A_79] {strides = array<i32>} : memref<32x528xf32, #tpu.memory_space<vmem>>, vector<16xf32>,
      %mul3A_81 = arith.mulf %gather3A, %get3A_77 : vector<16xf32>
      %mul3A_82 = arith.mulf %gather3A_60, %get3A_80 : vector<16xf32>
      %add3A_83 = arith.addf %mul3A_81, %mul3A_82 : vector<16xf32>
      %select_n3A_84 = arith.select %gt3A_63, %add3A_83, %get3A_77 : vector<16xi1>, vector<16xf32>
      %swap3A_85 = arith.index_cast %scan3A_58 : i32 to index
      %swap3A_86 = arith.constant 16 : index
      %swap3A_87 = tpu.vector_load %arg13[%swap3A_85, %swap3A_86] {strides = array<i32>} : memref<32x512xf32, #tpu.memory_space<vmem>>, vector<16xf32>,
      tpu.vector_store %arg13[%swap3A_85, %swap3A_86], %select_n3A_84 {strides = array<i32>} : memref<32x512xf32, #tpu.memory_space<vmem>>, vector<16xf32>,
      %get3A_88 = arith.index_cast %scan3A_58 : i32 to index
      %get3A_89 = arith.constant 32 : index
      %get3A_90 = tpu.vector_load %arg13[%get3A_88, %get3A_89] {strides = array<i32>} : memref<32x512xf32, #tpu.memory_space<vmem>>, vector<16xf32>,
      %get3A_91 = arith.index_cast %scan3A_58 : i32 to index
      %get3A_92 = arith.constant 48 : index
      %get3A_93 = tpu.vector_load %arg14[%get3A_91, %get3A_92] {strides = array<i32>} : memref<32x528xf32, #tpu.memory_space<vmem>>, vector<16xf32>,
      %mul3A_94 = arith.mulf %gather3A, %get3A_90 : vector<16xf32>
      %mul3A_95 = arith.mulf %gather3A_60, %get3A_93 : vector<16xf32>
      %add3A_96 = arith.addf %mul3A_94, %mul3A_95 : vector<16xf32>
      %select_n3A_97 = arith.select %gt3A_63, %add3A_96, %get3A_90 : vector<16xi1>, vector<16xf32>
      %swap3A_98 = arith.index_cast %scan3A_58 : i32 to index
      %swap3A_99 = arith.constant 32 : index
      %swap3A_100 = tpu.vector_load %arg13[%swap3A_98, %swap3A_99] {strides = array<i32>} : memref<32x512xf32, #tpu.memory_space<vmem>>, vector<16xf32>,
      tpu.vector_store %arg13[%swap3A_98, %swap3A_99], %select_n3A_97 {strides = array<i32>} : memref<32x512xf32, #tpu.memory_space<vmem>>, vector<16xf32>,
      %get3A_101 = arith.index_cast %scan3A_58 : i32 to index
      %get3A_102 = arith.constant 48 : index
      %get3A_103 = tpu.vector_load %arg13[%get3A_101, %get3A_102] {strides = array<i32>} : memref<32x512xf32, #tpu.memory_space<vmem>>, vector<16xf32>,
      %get3A_104 = arith.index_cast %scan3A_58 : i32 to index
      %get3A_105 = arith.constant 64 : index
      %get3A_106 = tpu.vector_load %arg14[%get3A_104, %get3A_105] {strides = array<i32>} : memref<32x528xf32, #tpu.memory_space<vmem>>, vector<16xf32>,
      %mul3A_107 = arith.mulf %gather3A, %get3A_103 : vector<16xf32>
      %mul3A_108 = arith.mulf %gather3A_60, %get3A_106 : vector<16xf32>
      %add3A_109 = arith.addf %mul3A_107, %mul3A_108 : vector<16xf32>
      %select_n3A_110 = arith.select %gt3A_63, %add3A_109, %get3A_103 : vector<16xi1>, vector<16xf32>
      %swap3A_111 = arith.index_cast %scan3A_58 : i32 to index
      %swap3A_112 = arith.constant 48 : index
      %swap3A_113 = tpu.vector_load %arg13[%swap3A_111, %swap3A_112] {strides = array<i32>} : memref<32x512xf32, #tpu.memory_space<vmem>>, vector<16xf32>,
      tpu.vector_store %arg13[%swap3A_111, %swap3A_112], %select_n3A_110 {strides = array<i32>} : memref<32x512xf32, #tpu.memory_space<vmem>>, vector<16xf32>,
      %get3A_114 = arith.index_cast %scan3A_58 : i32 to index
      %get3A_115 = arith.constant 64 : index
      %get3A_116 = tpu.vector_load %arg13[%get3A_114, %get3A_115] {strides = array<i32>} : memref<32x512xf32, #tpu.memory_space<vmem>>, vector<16xf32>,
      %get3A_117 = arith.index_cast %scan3A_58 : i32 to index
      %get3A_118 = arith.constant 80 : index
      %get3A_119 = tpu.vector_load %arg14[%get3A_117, %get3A_118] {strides = array<i32>} : memref<32x528xf32, #tpu.memory_space<vmem>>, vector<16xf32>,
      %mul3A_120 = arith.mulf %gather3A, %get3A_116 : vector<16xf32>
      %mul3A_121 = arith.mulf %gather3A_60, %get3A_119 : vector<16xf32>
      %add3A_122 = arith.addf %mul3A_120, %mul3A_121 : vector<16xf32>
      %select_n3A_123 = arith.select %gt3A_63, %add3A_122, %get3A_116 : vector<16xi1>, vector<16xf32>
      %swap3A_124 = arith.index_cast %scan3A_58 : i32 to index
      %swap3A_125 = arith.constant 64 : index
      %swap3A_126 = tpu.vector_load %arg13[%swap3A_124, %swap3A_125] {strides = array<i32>} : memref<32x512xf32, #tpu.memory_space<vmem>>, vector<16xf32>,
      tpu.vector_store %arg13[%swap3A_124, %swap3A_125], %select_n3A_123 {strides = array<i32>} : memref<32x512xf32, #tpu.memory_space<vmem>>, vector<16xf32>,
      %get3A_127 = arith.index_cast %scan3A_58 : i32 to index
      %get3A_128 = arith.constant 80 : index
      %get3A_129 = tpu.vector_load %arg13[%get3A_127, %get3A_128] {strides = array<i32>} : memref<32x512xf32, #tpu.memory_space<vmem>>, vector<16xf32>,
      %get3A_130 = arith.index_cast %scan3A_58 : i32 to index
      %get3A_131 = arith.constant 96 : index
      %get3A_132 = tpu.vector_load %arg14[%get3A_130, %get3A_131] {strides = array<i32>} : memref<32x528xf32, #tpu.memory_space<vmem>>, vector<16xf32>,
      %mul3A_133 = arith.mulf %gather3A, %get3A_129 : vector<16xf32>
      %mul3A_134 = arith.mulf %gather3A_60, %get3A_132 : vector<16xf32>
      %add3A_135 = arith.addf %mul3A_133, %mul3A_134 : vector<16xf32>
      %select_n3A_136 = arith.select %gt3A_63, %add3A_135, %get3A_129 : vector<16xi1>, vector<16xf32>
      %swap3A_137 = arith.index_cast %scan3A_58 : i32 to index
      %swap3A_138 = arith.constant 80 : index
      %swap3A_139 = tpu.vector_load %arg13[%swap3A_137, %swap3A_138] {strides = array<i32>} : memref<32x512xf32, #tpu.memory_space<vmem>>, vector<16xf32>,
      tpu.vector_store %arg13[%swap3A_137, %swap3A_138], %select_n3A_136 {strides = array<i32>} : memref<32x512xf32, #tpu.memory_space<vmem>>, vector<16xf32>,
      %get3A_140 = arith.index_cast %scan3A_58 : i32 to index
      %get3A_141 = arith.constant 96 : index
      %get3A_142 = tpu.vector_load %arg13[%get3A_140, %get3A_141] {strides = array<i32>} : memref<32x512xf32, #tpu.memory_space<vmem>>, vector<16xf32>,
      %get3A_143 = arith.index_cast %scan3A_58 : i32 to index
      %get3A_144 = arith.constant 112 : index
      %get3A_145 = tpu.vector_load %arg14[%get3A_143, %get3A_144] {strides = array<i32>} : memref<32x528xf32, #tpu.memory_space<vmem>>, vector<16xf32>,
      %mul3A_146 = arith.mulf %gather3A, %get3A_142 : vector<16xf32>
      %mul3A_147 = arith.mulf %gather3A_60, %get3A_145 : vector<16xf32>
      %add3A_148 = arith.addf %mul3A_146, %mul3A_147 : vector<16xf32>
      %select_n3A_149 = arith.select %gt3A_63, %add3A_148, %get3A_142 : vector<16xi1>, vector<16xf32>
      %swap3A_150 = arith.index_cast %scan3A_58 : i32 to index
      %swap3A_151 = arith.constant 96 : index
      %swap3A_152 = tpu.vector_load %arg13[%swap3A_150, %swap3A_151] {strides = array<i32>} : memref<32x512xf32, #tpu.memory_space<vmem>>, vector<16xf32>,
      tpu.vector_store %arg13[%swap3A_150, %swap3A_151], %select_n3A_149 {strides = array<i32>} : memref<32x512xf32, #tpu.memory_space<vmem>>, vector<16xf32>,
      %get3A_153 = arith.index_cast %scan3A_58 : i32 to index
      %get3A_154 = arith.constant 112 : index
      %get3A_155 = tpu.vector_load %arg13[%get3A_153, %get3A_154] {strides = array<i32>} : memref<32x512xf32, #tpu.memory_space<vmem>>, vector<16xf32>,
      %get3A_156 = arith.index_cast %scan3A_58 : i32 to index
      %get3A_157 = arith.constant 128 : index
      %get3A_158 = tpu.vector_load %arg14[%get3A_156, %get3A_157] {strides = array<i32>} : memref<32x528xf32, #tpu.memory_space<vmem>>, vector<16xf32>,
      %mul3A_159 = arith.mulf %gather3A, %get3A_155 : vector<16xf32>
      %mul3A_160 = arith.mulf %gather3A_60, %get3A_158 : vector<16xf32>
      %add3A_161 = arith.addf %mul3A_159, %mul3A_160 : vector<16xf32>
      %select_n3A_162 = arith.select %gt3A_63, %add3A_161, %get3A_155 : vector<16xi1>, vector<16xf32>
      %swap3A_163 = arith.index_cast %scan3A_58 : i32 to index
      %swap3A_164 = arith.constant 112 : index
      %swap3A_165 = tpu.vector_load %arg13[%swap3A_163, %swap3A_164] {strides = array<i32>} : memref<32x512xf32, #tpu.memory_space<vmem>>, vector<16xf32>,
      tpu.vector_store %arg13[%swap3A_163, %swap3A_164], %select_n3A_162 {strides = array<i32>} : memref<32x512xf32, #tpu.memory_space<vmem>>, vector<16xf32>,
      %get3A_166 = arith.index_cast %scan3A_58 : i32 to index
      %get3A_167 = arith.constant 128 : index
      %get3A_168 = tpu.vector_load %arg13[%get3A_166, %get3A_167] {strides = array<i32>} : memref<32x512xf32, #tpu.memory_space<vmem>>, vector<16xf32>,
      %get3A_169 = arith.index_cast %scan3A_58 : i32 to index
      %get3A_170 = arith.constant 144 : index
      %get3A_171 = tpu.vector_load %arg14[%get3A_169, %get3A_170] {strides = array<i32>} : memref<32x528xf32, #tpu.memory_space<vmem>>, vector<16xf32>,
      %mul3A_172 = arith.mulf %gather3A, %get3A_168 : vector<16xf32>
      %mul3A_173 = arith.mulf %gather3A_60, %get3A_171 : vector<16xf32>
      %add3A_174 = arith.addf %mul3A_172, %mul3A_173 : vector<16xf32>
      %select_n3A_175 = arith.select %gt3A_63, %add3A_174, %get3A_168 : vector<16xi1>, vector<16xf32>
      %swap3A_176 = arith.index_cast %scan3A_58 : i32 to index
      %swap3A_177 = arith.constant 128 : index
      %swap3A_178 = tpu.vector_load %arg13[%swap3A_176, %swap3A_177] {strides = array<i32>} : memref<32x512xf32, #tpu.memory_space<vmem>>, vector<16xf32>,
      tpu.vector_store %arg13[%swap3A_176, %swap3A_177], %select_n3A_175 {strides = array<i32>} : memref<32x512xf32, #tpu.memory_space<vmem>>, vector<16xf32>,
      %get3A_179 = arith.index_cast %scan3A_58 : i32 to index
      %get3A_180 = arith.constant 144 : index
      %get3A_181 = tpu.vector_load %arg13[%get3A_179, %get3A_180] {strides = array<i32>} : memref<32x512xf32, #tpu.memory_space<vmem>>, vector<16xf32>,
      %get3A_182 = arith.index_cast %scan3A_58 : i32 to index
      %get3A_183 = arith.constant 160 : index
      %get3A_184 = tpu.vector_load %arg14[%get3A_182, %get3A_183] {strides = array<i32>} : memref<32x528xf32, #tpu.memory_space<vmem>>, vector<16xf32>,
      %mul3A_185 = arith.mulf %gather3A, %get3A_181 : vector<16xf32>
      %mul3A_186 = arith.mulf %gather3A_60, %get3A_184 : vector<16xf32>
      %add3A_187 = arith.addf %mul3A_185, %mul3A_186 : vector<16xf32>
      %select_n3A_188 = arith.select %gt3A_63, %add3A_187, %get3A_181 : vector<16xi1>, vector<16xf32>
      %swap3A_189 = arith.index_cast %scan3A_58 : i32 to index
      %swap3A_190 = arith.constant 144 : index
      %swap3A_191 = tpu.vector_load %arg13[%swap3A_189, %swap3A_190] {strides = array<i32>} : memref<32x512xf32, #tpu.memory_space<vmem>>, vector<16xf32>,
      tpu.vector_store %arg13[%swap3A_189, %swap3A_190], %select_n3A_188 {strides = array<i32>} : memref<32x512xf32, #tpu.memory_space<vmem>>, vector<16xf32>,
      %get3A_192 = arith.index_cast %scan3A_58 : i32 to index
      %get3A_193 = arith.constant 160 : index
      %get3A_194 = tpu.vector_load %arg13[%get3A_192, %get3A_193] {strides = array<i32>} : memref<32x512xf32, #tpu.memory_space<vmem>>, vector<16xf32>,
      %get3A_195 = arith.index_cast %scan3A_58 : i32 to index
      %get3A_196 = arith.constant 176 : index
      %get3A_197 = tpu.vector_load %arg14[%get3A_195, %get3A_196] {strides = array<i32>} : memref<32x528xf32, #tpu.memory_space<vmem>>, vector<16xf32>,
      %mul3A_198 = arith.mulf %gather3A, %get3A_194 : vector<16xf32>
      %mul3A_199 = arith.mulf %gather3A_60, %get3A_197 : vector<16xf32>
      %add3A_200 = arith.addf %mul3A_198, %mul3A_199 : vector<16xf32>
      %select_n3A_201 = arith.select %gt3A_63, %add3A_200, %get3A_194 : vector<16xi1>, vector<16xf32>
      %swap3A_202 = arith.index_cast %scan3A_58 : i32 to index
      %swap3A_203 = arith.constant 160 : index
      %swap3A_204 = tpu.vector_load %arg13[%swap3A_202, %swap3A_203] {strides = array<i32>} : memref<32x512xf32, #tpu.memory_space<vmem>>, vector<16xf32>,
      tpu.vector_store %arg13[%swap3A_202, %swap3A_203], %select_n3A_201 {strides = array<i32>} : memref<32x512xf32, #tpu.memory_space<vmem>>, vector<16xf32>,
      %get3A_205 = arith.index_cast %scan3A_58 : i32 to index
      %get3A_206 = arith.constant 176 : index
      %get3A_207 = tpu.vector_load %arg13[%get3A_205, %get3A_206] {strides = array<i32>} : memref<32x512xf32, #tpu.memory_space<vmem>>, vector<16xf32>,
      %get3A_208 = arith.index_cast %scan3A_58 : i32 to index
      %get3A_209 = arith.constant 192 : index
      %get3A_210 = tpu.vector_load %arg14[%get3A_208, %get3A_209] {strides = array<i32>} : memref<32x528xf32, #tpu.memory_space<vmem>>, vector<16xf32>,
      %mul3A_211 = arith.mulf %gather3A, %get3A_207 : vector<16xf32>
      %mul3A_212 = arith.mulf %gather3A_60, %get3A_210 : vector<16xf32>
      %add3A_213 = arith.addf %mul3A_211, %mul3A_212 : vector<16xf32>
      %select_n3A_214 = arith.select %gt3A_63, %add3A_213, %get3A_207 : vector<16xi1>, vector<16xf32>
      %swap3A_215 = arith.index_cast %scan3A_58 : i32 to index
      %swap3A_216 = arith.constant 176 : index
      %swap3A_217 = tpu.vector_load %arg13[%swap3A_215, %swap3A_216] {strides = array<i32>} : memref<32x512xf32, #tpu.memory_space<vmem>>, vector<16xf32>,
      tpu.vector_store %arg13[%swap3A_215, %swap3A_216], %select_n3A_214 {strides = array<i32>} : memref<32x512xf32, #tpu.memory_space<vmem>>, vector<16xf32>,
      %get3A_218 = arith.index_cast %scan3A_58 : i32 to index
      %get3A_219 = arith.constant 192 : index
      %get3A_220 = tpu.vector_load %arg13[%get3A_218, %get3A_219] {strides = array<i32>} : memref<32x512xf32, #tpu.memory_space<vmem>>, vector<16xf32>,
      %get3A_221 = arith.index_cast %scan3A_58 : i32 to index
      %get3A_222 = arith.constant 208 : index
      %get3A_223 = tpu.vector_load %arg14[%get3A_221, %get3A_222] {strides = array<i32>} : memref<32x528xf32, #tpu.memory_space<vmem>>, vector<16xf32>,
      %mul3A_224 = arith.mulf %gather3A, %get3A_220 : vector<16xf32>
      %mul3A_225 = arith.mulf %gather3A_60, %get3A_223 : vector<16xf32>
      %add3A_226 = arith.addf %mul3A_224, %mul3A_225 : vector<16xf32>
      %select_n3A_227 = arith.select %gt3A_63, %add3A_226, %get3A_220 : vector<16xi1>, vector<16xf32>
      %swap3A_228 = arith.index_cast %scan3A_58 : i32 to index
      %swap3A_229 = arith.constant 192 : index
      %swap3A_230 = tpu.vector_load %arg13[%swap3A_228, %swap3A_229] {strides = array<i32>} : memref<32x512xf32, #tpu.memory_space<vmem>>, vector<16xf32>,
      tpu.vector_store %arg13[%swap3A_228, %swap3A_229], %select_n3A_227 {strides = array<i32>} : memref<32x512xf32, #tpu.memory_space<vmem>>, vector<16xf32>,
      %get3A_231 = arith.index_cast %scan3A_58 : i32 to index
      %get3A_232 = arith.constant 208 : index
      %get3A_233 = tpu.vector_load %arg13[%get3A_231, %get3A_232] {strides = array<i32>} : memref<32x512xf32, #tpu.memory_space<vmem>>, vector<16xf32>,
      %get3A_234 = arith.index_cast %scan3A_58 : i32 to index
      %get3A_235 = arith.constant 224 : index
      %get3A_236 = tpu.vector_load %arg14[%get3A_234, %get3A_235] {strides = array<i32>} : memref<32x528xf32, #tpu.memory_space<vmem>>, vector<16xf32>,
      %mul3A_237 = arith.mulf %gather3A, %get3A_233 : vector<16xf32>
      %mul3A_238 = arith.mulf %gather3A_60, %get3A_236 : vector<16xf32>
      %add3A_239 = arith.addf %mul3A_237, %mul3A_238 : vector<16xf32>
      %select_n3A_240 = arith.select %gt3A_63, %add3A_239, %get3A_233 : vector<16xi1>, vector<16xf32>
      %swap3A_241 = arith.index_cast %scan3A_58 : i32 to index
      %swap3A_242 = arith.constant 208 : index
      %swap3A_243 = tpu.vector_load %arg13[%swap3A_241, %swap3A_242] {strides = array<i32>} : memref<32x512xf32, #tpu.memory_space<vmem>>, vector<16xf32>,
      tpu.vector_store %arg13[%swap3A_241, %swap3A_242], %select_n3A_240 {strides = array<i32>} : memref<32x512xf32, #tpu.memory_space<vmem>>, vector<16xf32>,
      %get3A_244 = arith.index_cast %scan3A_58 : i32 to index
      %get3A_245 = arith.constant 224 : index
      %get3A_246 = tpu.vector_load %arg13[%get3A_244, %get3A_245] {strides = array<i32>} : memref<32x512xf32, #tpu.memory_space<vmem>>, vector<16xf32>,
      %get3A_247 = arith.index_cast %scan3A_58 : i32 to index
      %get3A_248 = arith.constant 240 : index
      %get3A_249 = tpu.vector_load %arg14[%get3A_247, %get3A_248] {strides = array<i32>} : memref<32x528xf32, #tpu.memory_space<vmem>>, vector<16xf32>,
      %mul3A_250 = arith.mulf %gather3A, %get3A_246 : vector<16xf32>
      %mul3A_251 = arith.mulf %gather3A_60, %get3A_249 : vector<16xf32>
      %add3A_252 = arith.addf %mul3A_250, %mul3A_251 : vector<16xf32>
      %select_n3A_253 = arith.select %gt3A_63, %add3A_252, %get3A_246 : vector<16xi1>, vector<16xf32>
      %swap3A_254 = arith.index_cast %scan3A_58 : i32 to index
      %swap3A_255 = arith.constant 224 : index
      %swap3A_256 = tpu.vector_load %arg13[%swap3A_254, %swap3A_255] {strides = array<i32>} : memref<32x512xf32, #tpu.memory_space<vmem>>, vector<16xf32>,
      tpu.vector_store %arg13[%swap3A_254, %swap3A_255], %select_n3A_253 {strides = array<i32>} : memref<32x512xf32, #tpu.memory_space<vmem>>, vector<16xf32>,
      %get3A_257 = arith.index_cast %scan3A_58 : i32 to index
      %get3A_258 = arith.constant 240 : index
      %get3A_259 = tpu.vector_load %arg13[%get3A_257, %get3A_258] {strides = array<i32>} : memref<32x512xf32, #tpu.memory_space<vmem>>, vector<16xf32>,
      %get3A_260 = arith.index_cast %scan3A_58 : i32 to index
      %get3A_261 = arith.constant 256 : index
      %get3A_262 = tpu.vector_load %arg14[%get3A_260, %get3A_261] {strides = array<i32>} : memref<32x528xf32, #tpu.memory_space<vmem>>, vector<16xf32>,
      %mul3A_263 = arith.mulf %gather3A, %get3A_259 : vector<16xf32>
      %mul3A_264 = arith.mulf %gather3A_60, %get3A_262 : vector<16xf32>
      %add3A_265 = arith.addf %mul3A_263, %mul3A_264 : vector<16xf32>
      %select_n3A_266 = arith.select %gt3A_63, %add3A_265, %get3A_259 : vector<16xi1>, vector<16xf32>
      %swap3A_267 = arith.index_cast %scan3A_58 : i32 to index
      %swap3A_268 = arith.constant 240 : index
      %swap3A_269 = tpu.vector_load %arg13[%swap3A_267, %swap3A_268] {strides = array<i32>} : memref<32x512xf32, #tpu.memory_space<vmem>>, vector<16xf32>,
      tpu.vector_store %arg13[%swap3A_267, %swap3A_268], %select_n3A_266 {strides = array<i32>} : memref<32x512xf32, #tpu.memory_space<vmem>>, vector<16xf32>,
      %get3A_270 = arith.index_cast %scan3A_58 : i32 to index
      %get3A_271 = arith.constant 256 : index
      %get3A_272 = tpu.vector_load %arg13[%get3A_270, %get3A_271] {strides = array<i32>} : memref<32x512xf32, #tpu.memory_space<vmem>>, vector<16xf32>,
      %get3A_273 = arith.index_cast %scan3A_58 : i32 to index
      %get3A_274 = arith.constant 272 : index
      %get3A_275 = tpu.vector_load %arg14[%get3A_273, %get3A_274] {strides = array<i32>} : memref<32x528xf32, #tpu.memory_space<vmem>>, vector<16xf32>,
      %mul3A_276 = arith.mulf %gather3A, %get3A_272 : vector<16xf32>
      %mul3A_277 = arith.mulf %gather3A_60, %get3A_275 : vector<16xf32>
      %add3A_278 = arith.addf %mul3A_276, %mul3A_277 : vector<16xf32>
      %select_n3A_279 = arith.select %gt3A_63, %add3A_278, %get3A_272 : vector<16xi1>, vector<16xf32>
      %swap3A_280 = arith.index_cast %scan3A_58 : i32 to index
      %swap3A_281 = arith.constant 256 : index
      %swap3A_282 = tpu.vector_load %arg13[%swap3A_280, %swap3A_281] {strides = array<i32>} : memref<32x512xf32, #tpu.memory_space<vmem>>, vector<16xf32>,
      tpu.vector_store %arg13[%swap3A_280, %swap3A_281], %select_n3A_279 {strides = array<i32>} : memref<32x512xf32, #tpu.memory_space<vmem>>, vector<16xf32>,
      %get3A_283 = arith.index_cast %scan3A_58 : i32 to index
      %get3A_284 = arith.constant 272 : index
      %get3A_285 = tpu.vector_load %arg13[%get3A_283, %get3A_284] {strides = array<i32>} : memref<32x512xf32, #tpu.memory_space<vmem>>, vector<16xf32>,
      %get3A_286 = arith.index_cast %scan3A_58 : i32 to index
      %get3A_287 = arith.constant 288 : index
      %get3A_288 = tpu.vector_load %arg14[%get3A_286, %get3A_287] {strides = array<i32>} : memref<32x528xf32, #tpu.memory_space<vmem>>, vector<16xf32>,
      %mul3A_289 = arith.mulf %gather3A, %get3A_285 : vector<16xf32>
      %mul3A_290 = arith.mulf %gather3A_60, %get3A_288 : vector<16xf32>
      %add3A_291 = arith.addf %mul3A_289, %mul3A_290 : vector<16xf32>
      %select_n3A_292 = arith.select %gt3A_63, %add3A_291, %get3A_285 : vector<16xi1>, vector<16xf32>
      %swap3A_293 = arith.index_cast %scan3A_58 : i32 to index
      %swap3A_294 = arith.constant 272 : index
      %swap3A_295 = tpu.vector_load %arg13[%swap3A_293, %swap3A_294] {strides = array<i32>} : memref<32x512xf32, #tpu.memory_space<vmem>>, vector<16xf32>,
      tpu.vector_store %arg13[%swap3A_293, %swap3A_294], %select_n3A_292 {strides = array<i32>} : memref<32x512xf32, #tpu.memory_space<vmem>>, vector<16xf32>,
      %get3A_296 = arith.index_cast %scan3A_58 : i32 to index
      %get3A_297 = arith.constant 288 : index
      %get3A_298 = tpu.vector_load %arg13[%get3A_296, %get3A_297] {strides = array<i32>} : memref<32x512xf32, #tpu.memory_space<vmem>>, vector<16xf32>,
      %get3A_299 = arith.index_cast %scan3A_58 : i32 to index
      %get3A_300 = arith.constant 304 : index
      %get3A_301 = tpu.vector_load %arg14[%get3A_299, %get3A_300] {strides = array<i32>} : memref<32x528xf32, #tpu.memory_space<vmem>>, vector<16xf32>,
      %mul3A_302 = arith.mulf %gather3A, %get3A_298 : vector<16xf32>
      %mul3A_303 = arith.mulf %gather3A_60, %get3A_301 : vector<16xf32>
      %add3A_304 = arith.addf %mul3A_302, %mul3A_303 : vector<16xf32>
      %select_n3A_305 = arith.select %gt3A_63, %add3A_304, %get3A_298 : vector<16xi1>, vector<16xf32>
      %swap3A_306 = arith.index_cast %scan3A_58 : i32 to index
      %swap3A_307 = arith.constant 288 : index
      %swap3A_308 = tpu.vector_load %arg13[%swap3A_306, %swap3A_307] {strides = array<i32>} : memref<32x512xf32, #tpu.memory_space<vmem>>, vector<16xf32>,
      tpu.vector_store %arg13[%swap3A_306, %swap3A_307], %select_n3A_305 {strides = array<i32>} : memref<32x512xf32, #tpu.memory_space<vmem>>, vector<16xf32>,
      %get3A_309 = arith.index_cast %scan3A_58 : i32 to index
      %get3A_310 = arith.constant 304 : index
      %get3A_311 = tpu.vector_load %arg13[%get3A_309, %get3A_310] {strides = array<i32>} : memref<32x512xf32, #tpu.memory_space<vmem>>, vector<16xf32>,
      %get3A_312 = arith.index_cast %scan3A_58 : i32 to index
      %get3A_313 = arith.constant 320 : index
      %get3A_314 = tpu.vector_load %arg14[%get3A_312, %get3A_313] {strides = array<i32>} : memref<32x528xf32, #tpu.memory_space<vmem>>, vector<16xf32>,
      %mul3A_315 = arith.mulf %gather3A, %get3A_311 : vector<16xf32>
      %mul3A_316 = arith.mulf %gather3A_60, %get3A_314 : vector<16xf32>
      %add3A_317 = arith.addf %mul3A_315, %mul3A_316 : vector<16xf32>
      %select_n3A_318 = arith.select %gt3A_63, %add3A_317, %get3A_311 : vector<16xi1>, vector<16xf32>
      %swap3A_319 = arith.index_cast %scan3A_58 : i32 to index
      %swap3A_320 = arith.constant 304 : index
      %swap3A_321 = tpu.vector_load %arg13[%swap3A_319, %swap3A_320] {strides = array<i32>} : memref<32x512xf32, #tpu.memory_space<vmem>>, vector<16xf32>,
      tpu.vector_store %arg13[%swap3A_319, %swap3A_320], %select_n3A_318 {strides = array<i32>} : memref<32x512xf32, #tpu.memory_space<vmem>>, vector<16xf32>,
      %get3A_322 = arith.index_cast %scan3A_58 : i32 to index
      %get3A_323 = arith.constant 320 : index
      %get3A_324 = tpu.vector_load %arg13[%get3A_322, %get3A_323] {strides = array<i32>} : memref<32x512xf32, #tpu.memory_space<vmem>>, vector<16xf32>,
      %get3A_325 = arith.index_cast %scan3A_58 : i32 to index
      %get3A_326 = arith.constant 336 : index
      %get3A_327 = tpu.vector_load %arg14[%get3A_325, %get3A_326] {strides = array<i32>} : memref<32x528xf32, #tpu.memory_space<vmem>>, vector<16xf32>,
      %mul3A_328 = arith.mulf %gather3A, %get3A_324 : vector<16xf32>
      %mul3A_329 = arith.mulf %gather3A_60, %get3A_327 : vector<16xf32>
      %add3A_330 = arith.addf %mul3A_328, %mul3A_329 : vector<16xf32>
      %select_n3A_331 = arith.select %gt3A_63, %add3A_330, %get3A_324 : vector<16xi1>, vector<16xf32>
      %swap3A_332 = arith.index_cast %scan3A_58 : i32 to index
      %swap3A_333 = arith.constant 320 : index
      %swap3A_334 = tpu.vector_load %arg13[%swap3A_332, %swap3A_333] {strides = array<i32>} : memref<32x512xf32, #tpu.memory_space<vmem>>, vector<16xf32>,
      tpu.vector_store %arg13[%swap3A_332, %swap3A_333], %select_n3A_331 {strides = array<i32>} : memref<32x512xf32, #tpu.memory_space<vmem>>, vector<16xf32>,
      %get3A_335 = arith.index_cast %scan3A_58 : i32 to index
      %get3A_336 = arith.constant 336 : index
      %get3A_337 = tpu.vector_load %arg13[%get3A_335, %get3A_336] {strides = array<i32>} : memref<32x512xf32, #tpu.memory_space<vmem>>, vector<16xf32>,
      %get3A_338 = arith.index_cast %scan3A_58 : i32 to index
      %get3A_339 = arith.constant 352 : index
      %get3A_340 = tpu.vector_load %arg14[%get3A_338, %get3A_339] {strides = array<i32>} : memref<32x528xf32, #tpu.memory_space<vmem>>, vector<16xf32>,
      %mul3A_341 = arith.mulf %gather3A, %get3A_337 : vector<16xf32>
      %mul3A_342 = arith.mulf %gather3A_60, %get3A_340 : vector<16xf32>
      %add3A_343 = arith.addf %mul3A_341, %mul3A_342 : vector<16xf32>
      %select_n3A_344 = arith.select %gt3A_63, %add3A_343, %get3A_337 : vector<16xi1>, vector<16xf32>
      %swap3A_345 = arith.index_cast %scan3A_58 : i32 to index
      %swap3A_346 = arith.constant 336 : index
      %swap3A_347 = tpu.vector_load %arg13[%swap3A_345, %swap3A_346] {strides = array<i32>} : memref<32x512xf32, #tpu.memory_space<vmem>>, vector<16xf32>,
      tpu.vector_store %arg13[%swap3A_345, %swap3A_346], %select_n3A_344 {strides = array<i32>} : memref<32x512xf32, #tpu.memory_space<vmem>>, vector<16xf32>,
      %get3A_348 = arith.index_cast %scan3A_58 : i32 to index
      %get3A_349 = arith.constant 352 : index
      %get3A_350 = tpu.vector_load %arg13[%get3A_348, %get3A_349] {strides = array<i32>} : memref<32x512xf32, #tpu.memory_space<vmem>>, vector<16xf32>,
      %get3A_351 = arith.index_cast %scan3A_58 : i32 to index
      %get3A_352 = arith.constant 368 : index
      %get3A_353 = tpu.vector_load %arg14[%get3A_351, %get3A_352] {strides = array<i32>} : memref<32x528xf32, #tpu.memory_space<vmem>>, vector<16xf32>,
      %mul3A_354 = arith.mulf %gather3A, %get3A_350 : vector<16xf32>
      %mul3A_355 = arith.mulf %gather3A_60, %get3A_353 : vector<16xf32>
      %add3A_356 = arith.addf %mul3A_354, %mul3A_355 : vector<16xf32>
      %select_n3A_357 = arith.select %gt3A_63, %add3A_356, %get3A_350 : vector<16xi1>, vector<16xf32>
      %swap3A_358 = arith.index_cast %scan3A_58 : i32 to index
      %swap3A_359 = arith.constant 352 : index
      %swap3A_360 = tpu.vector_load %arg13[%swap3A_358, %swap3A_359] {strides = array<i32>} : memref<32x512xf32, #tpu.memory_space<vmem>>, vector<16xf32>,
      tpu.vector_store %arg13[%swap3A_358, %swap3A_359], %select_n3A_357 {strides = array<i32>} : memref<32x512xf32, #tpu.memory_space<vmem>>, vector<16xf32>,
      %get3A_361 = arith.index_cast %scan3A_58 : i32 to index
      %get3A_362 = arith.constant 368 : index
      %get3A_363 = tpu.vector_load %arg13[%get3A_361, %get3A_362] {strides = array<i32>} : memref<32x512xf32, #tpu.memory_space<vmem>>, vector<16xf32>,
      %get3A_364 = arith.index_cast %scan3A_58 : i32 to index
      %get3A_365 = arith.constant 384 : index
      %get3A_366 = tpu.vector_load %arg14[%get3A_364, %get3A_365] {strides = array<i32>} : memref<32x528xf32, #tpu.memory_space<vmem>>, vector<16xf32>,
      %mul3A_367 = arith.mulf %gather3A, %get3A_363 : vector<16xf32>
      %mul3A_368 = arith.mulf %gather3A_60, %get3A_366 : vector<16xf32>
      %add3A_369 = arith.addf %mul3A_367, %mul3A_368 : vector<16xf32>
      %select_n3A_370 = arith.select %gt3A_63, %add3A_369, %get3A_363 : vector<16xi1>, vector<16xf32>
      %swap3A_371 = arith.index_cast %scan3A_58 : i32 to index
      %swap3A_372 = arith.constant 368 : index
      %swap3A_373 = tpu.vector_load %arg13[%swap3A_371, %swap3A_372] {strides = array<i32>} : memref<32x512xf32, #tpu.memory_space<vmem>>, vector<16xf32>,
      tpu.vector_store %arg13[%swap3A_371, %swap3A_372], %select_n3A_370 {strides = array<i32>} : memref<32x512xf32, #tpu.memory_space<vmem>>, vector<16xf32>,
      %get3A_374 = arith.index_cast %scan3A_58 : i32 to index
      %get3A_375 = arith.constant 384 : index
      %get3A_376 = tpu.vector_load %arg13[%get3A_374, %get3A_375] {strides = array<i32>} : memref<32x512xf32, #tpu.memory_space<vmem>>, vector<16xf32>,
      %get3A_377 = arith.index_cast %scan3A_58 : i32 to index
      %get3A_378 = arith.constant 400 : index
      %get3A_379 = tpu.vector_load %arg14[%get3A_377, %get3A_378] {strides = array<i32>} : memref<32x528xf32, #tpu.memory_space<vmem>>, vector<16xf32>,
      %mul3A_380 = arith.mulf %gather3A, %get3A_376 : vector<16xf32>
      %mul3A_381 = arith.mulf %gather3A_60, %get3A_379 : vector<16xf32>
      %add3A_382 = arith.addf %mul3A_380, %mul3A_381 : vector<16xf32>
      %select_n3A_383 = arith.select %gt3A_63, %add3A_382, %get3A_376 : vector<16xi1>, vector<16xf32>
      %swap3A_384 = arith.index_cast %scan3A_58 : i32 to index
      %swap3A_385 = arith.constant 384 : index
      %swap3A_386 = tpu.vector_load %arg13[%swap3A_384, %swap3A_385] {strides = array<i32>} : memref<32x512xf32, #tpu.memory_space<vmem>>, vector<16xf32>,
      tpu.vector_store %arg13[%swap3A_384, %swap3A_385], %select_n3A_383 {strides = array<i32>} : memref<32x512xf32, #tpu.memory_space<vmem>>, vector<16xf32>,
      %get3A_387 = arith.index_cast %scan3A_58 : i32 to index
      %get3A_388 = arith.constant 400 : index
      %get3A_389 = tpu.vector_load %arg13[%get3A_387, %get3A_388] {strides = array<i32>} : memref<32x512xf32, #tpu.memory_space<vmem>>, vector<16xf32>,
      %get3A_390 = arith.index_cast %scan3A_58 : i32 to index
      %get3A_391 = arith.constant 416 : index
      %get3A_392 = tpu.vector_load %arg14[%get3A_390, %get3A_391] {strides = array<i32>} : memref<32x528xf32, #tpu.memory_space<vmem>>, vector<16xf32>,
      %mul3A_393 = arith.mulf %gather3A, %get3A_389 : vector<16xf32>
      %mul3A_394 = arith.mulf %gather3A_60, %get3A_392 : vector<16xf32>
      %add3A_395 = arith.addf %mul3A_393, %mul3A_394 : vector<16xf32>
      %select_n3A_396 = arith.select %gt3A_63, %add3A_395, %get3A_389 : vector<16xi1>, vector<16xf32>
      %swap3A_397 = arith.index_cast %scan3A_58 : i32 to index
      %swap3A_398 = arith.constant 400 : index
      %swap3A_399 = tpu.vector_load %arg13[%swap3A_397, %swap3A_398] {strides = array<i32>} : memref<32x512xf32, #tpu.memory_space<vmem>>, vector<16xf32>,
      tpu.vector_store %arg13[%swap3A_397, %swap3A_398], %select_n3A_396 {strides = array<i32>} : memref<32x512xf32, #tpu.memory_space<vmem>>, vector<16xf32>,
      %get3A_400 = arith.index_cast %scan3A_58 : i32 to index
      %get3A_401 = arith.constant 416 : index
      %get3A_402 = tpu.vector_load %arg13[%get3A_400, %get3A_401] {strides = array<i32>} : memref<32x512xf32, #tpu.memory_space<vmem>>, vector<16xf32>,
      %get3A_403 = arith.index_cast %scan3A_58 : i32 to index
      %get3A_404 = arith.constant 432 : index
      %get3A_405 = tpu.vector_load %arg14[%get3A_403, %get3A_404] {strides = array<i32>} : memref<32x528xf32, #tpu.memory_space<vmem>>, vector<16xf32>,
      %mul3A_406 = arith.mulf %gather3A, %get3A_402 : vector<16xf32>
      %mul3A_407 = arith.mulf %gather3A_60, %get3A_405 : vector<16xf32>
      %add3A_408 = arith.addf %mul3A_406, %mul3A_407 : vector<16xf32>
      %select_n3A_409 = arith.select %gt3A_63, %add3A_408, %get3A_402 : vector<16xi1>, vector<16xf32>
      %swap3A_410 = arith.index_cast %scan3A_58 : i32 to index
      %swap3A_411 = arith.constant 416 : index
      %swap3A_412 = tpu.vector_load %arg13[%swap3A_410, %swap3A_411] {strides = array<i32>} : memref<32x512xf32, #tpu.memory_space<vmem>>, vector<16xf32>,
      tpu.vector_store %arg13[%swap3A_410, %swap3A_411], %select_n3A_409 {strides = array<i32>} : memref<32x512xf32, #tpu.memory_space<vmem>>, vector<16xf32>,
      %get3A_413 = arith.index_cast %scan3A_58 : i32 to index
      %get3A_414 = arith.constant 432 : index
      %get3A_415 = tpu.vector_load %arg13[%get3A_413, %get3A_414] {strides = array<i32>} : memref<32x512xf32, #tpu.memory_space<vmem>>, vector<16xf32>,
      %get3A_416 = arith.index_cast %scan3A_58 : i32 to index
      %get3A_417 = arith.constant 448 : index
      %get3A_418 = tpu.vector_load %arg14[%get3A_416, %get3A_417] {strides = array<i32>} : memref<32x528xf32, #tpu.memory_space<vmem>>, vector<16xf32>,
      %mul3A_419 = arith.mulf %gather3A, %get3A_415 : vector<16xf32>
      %mul3A_420 = arith.mulf %gather3A_60, %get3A_418 : vector<16xf32>
      %add3A_421 = arith.addf %mul3A_419, %mul3A_420 : vector<16xf32>
      %select_n3A_422 = arith.select %gt3A_63, %add3A_421, %get3A_415 : vector<16xi1>, vector<16xf32>
      %swap3A_423 = arith.index_cast %scan3A_58 : i32 to index
      %swap3A_424 = arith.constant 432 : index
      %swap3A_425 = tpu.vector_load %arg13[%swap3A_423, %swap3A_424] {strides = array<i32>} : memref<32x512xf32, #tpu.memory_space<vmem>>, vector<16xf32>,
      tpu.vector_store %arg13[%swap3A_423, %swap3A_424], %select_n3A_422 {strides = array<i32>} : memref<32x512xf32, #tpu.memory_space<vmem>>, vector<16xf32>,
      %get3A_426 = arith.index_cast %scan3A_58 : i32 to index
      %get3A_427 = arith.constant 448 : index
      %get3A_428 = tpu.vector_load %arg13[%get3A_426, %get3A_427] {strides = array<i32>} : memref<32x512xf32, #tpu.memory_space<vmem>>, vector<16xf32>,
      %get3A_429 = arith.index_cast %scan3A_58 : i32 to index
      %get3A_430 = arith.constant 464 : index
      %get3A_431 = tpu.vector_load %arg14[%get3A_429, %get3A_430] {strides = array<i32>} : memref<32x528xf32, #tpu.memory_space<vmem>>, vector<16xf32>,
      %mul3A_432 = arith.mulf %gather3A, %get3A_428 : vector<16xf32>
      %mul3A_433 = arith.mulf %gather3A_60, %get3A_431 : vector<16xf32>
      %add3A_434 = arith.addf %mul3A_432, %mul3A_433 : vector<16xf32>
      %select_n3A_435 = arith.select %gt3A_63, %add3A_434, %get3A_428 : vector<16xi1>, vector<16xf32>
      %swap3A_436 = arith.index_cast %scan3A_58 : i32 to index
      %swap3A_437 = arith.constant 448 : index
      %swap3A_438 = tpu.vector_load %arg13[%swap3A_436, %swap3A_437] {strides = array<i32>} : memref<32x512xf32, #tpu.memory_space<vmem>>, vector<16xf32>,
      tpu.vector_store %arg13[%swap3A_436, %swap3A_437], %select_n3A_435 {strides = array<i32>} : memref<32x512xf32, #tpu.memory_space<vmem>>, vector<16xf32>,
      %get3A_439 = arith.index_cast %scan3A_58 : i32 to index
      %get3A_440 = arith.constant 464 : index
      %get3A_441 = tpu.vector_load %arg13[%get3A_439, %get3A_440] {strides = array<i32>} : memref<32x512xf32, #tpu.memory_space<vmem>>, vector<16xf32>,
      %get3A_442 = arith.index_cast %scan3A_58 : i32 to index
      %get3A_443 = arith.constant 480 : index
      %get3A_444 = tpu.vector_load %arg14[%get3A_442, %get3A_443] {strides = array<i32>} : memref<32x528xf32, #tpu.memory_space<vmem>>, vector<16xf32>,
      %mul3A_445 = arith.mulf %gather3A, %get3A_441 : vector<16xf32>
      %mul3A_446 = arith.mulf %gather3A_60, %get3A_444 : vector<16xf32>
      %add3A_447 = arith.addf %mul3A_445, %mul3A_446 : vector<16xf32>
      %select_n3A_448 = arith.select %gt3A_63, %add3A_447, %get3A_441 : vector<16xi1>, vector<16xf32>
      %swap3A_449 = arith.index_cast %scan3A_58 : i32 to index
      %swap3A_450 = arith.constant 464 : index
      %swap3A_451 = tpu.vector_load %arg13[%swap3A_449, %swap3A_450] {strides = array<i32>} : memref<32x512xf32, #tpu.memory_space<vmem>>, vector<16xf32>,
      tpu.vector_store %arg13[%swap3A_449, %swap3A_450], %select_n3A_448 {strides = array<i32>} : memref<32x512xf32, #tpu.memory_space<vmem>>, vector<16xf32>,
      %get3A_452 = arith.index_cast %scan3A_58 : i32 to index
      %get3A_453 = arith.constant 480 : index
      %get3A_454 = tpu.vector_load %arg13[%get3A_452, %get3A_453] {strides = array<i32>} : memref<32x512xf32, #tpu.memory_space<vmem>>, vector<16xf32>,
      %get3A_455 = arith.index_cast %scan3A_58 : i32 to index
      %get3A_456 = arith.constant 496 : index
      %get3A_457 = tpu.vector_load %arg14[%get3A_455, %get3A_456] {strides = array<i32>} : memref<32x528xf32, #tpu.memory_space<vmem>>, vector<16xf32>,
      %mul3A_458 = arith.mulf %gather3A, %get3A_454 : vector<16xf32>
      %mul3A_459 = arith.mulf %gather3A_60, %get3A_457 : vector<16xf32>
      %add3A_460 = arith.addf %mul3A_458, %mul3A_459 : vector<16xf32>
      %select_n3A_461 = arith.select %gt3A_63, %add3A_460, %get3A_454 : vector<16xi1>, vector<16xf32>
      %swap3A_462 = arith.index_cast %scan3A_58 : i32 to index
      %swap3A_463 = arith.constant 480 : index
      %swap3A_464 = tpu.vector_load %arg13[%swap3A_462, %swap3A_463] {strides = array<i32>} : memref<32x512xf32, #tpu.memory_space<vmem>>, vector<16xf32>,
      tpu.vector_store %arg13[%swap3A_462, %swap3A_463], %select_n3A_461 {strides = array<i32>} : memref<32x512xf32, #tpu.memory_space<vmem>>, vector<16xf32>,
      %get3A_465 = arith.index_cast %scan3A_58 : i32 to index
      %get3A_466 = arith.constant 496 : index
      %get3A_467 = tpu.vector_load %arg13[%get3A_465, %get3A_466] {strides = array<i32>} : memref<32x512xf32, #tpu.memory_space<vmem>>, vector<16xf32>,
      %get3A_468 = arith.index_cast %scan3A_58 : i32 to index
      %get3A_469 = arith.constant 512 : index
      %get3A_470 = tpu.vector_load %arg14[%get3A_468, %get3A_469] {strides = array<i32>} : memref<32x528xf32, #tpu.memory_space<vmem>>, vector<16xf32>,
      %mul3A_471 = arith.mulf %gather3A, %get3A_467 : vector<16xf32>
      %mul3A_472 = arith.mulf %gather3A_60, %get3A_470 : vector<16xf32>
      %add3A_473 = arith.addf %mul3A_471, %mul3A_472 : vector<16xf32>
      %select_n3A_474 = arith.select %gt3A_63, %add3A_473, %get3A_467 : vector<16xi1>, vector<16xf32>
      %swap3A_475 = arith.index_cast %scan3A_58 : i32 to index
      %swap3A_476 = arith.constant 496 : index
      %swap3A_477 = tpu.vector_load %arg13[%swap3A_475, %swap3A_476] {strides = array<i32>} : memref<32x512xf32, #tpu.memory_space<vmem>>, vector<16xf32>,
      tpu.vector_store %arg13[%swap3A_475, %swap3A_476], %select_n3A_474 {strides = array<i32>} : memref<32x512xf32, #tpu.memory_space<vmem>>, vector<16xf32>,
    }
    %scan3A_55 = arith.constant 32 : i32
    %mul3A_56 = arith.constant 488 : i32
    %mul3A_57 = arith.muli %arg0, %mul3A_56 : i32
    "tpu.region"() ({
      %run_scoped3A = tpu.sem_alloc : memref<!tpu.dma_semaphore, #tpu.memory_space<semaphore_mem>>
      %dma_start3A = tpu.memref_slice %arg7[%add3A_49, %mul3A_57] : memref<1000x1000xf32, #tpu.memory_space<hbm>> -> memref<32x512xf32, #tpu.memory_space<hbm>>
      %dma_start3A_58 = tpu.memref_slice %arg7[%add3A_49, %mul3A_57] : memref<1000x1000xf32, #tpu.memory_space<hbm>> -> memref<32x512xf32, #tpu.memory_space<hbm>>
      tpu.enqueue_dma source(%arg13 : memref<32x512xf32, #tpu.memory_space<vmem>>) target(%dma_start3A_58 : memref<32x512xf32, #tpu.memory_space<hbm>>) target_semaphore(%run_scoped3A : memref<!tpu.dma_semaphore, #tpu.memory_space<semaphore_mem>>)
      %dma_wait3A = tpu.memref_slice %arg7[%add3A_49, %mul3A_57] : memref<1000x1000xf32, #tpu.memory_space<hbm>> -> memref<32x512xf32, #tpu.memory_space<hbm>>
      %dma_wait3A_59 = tpu.memref_slice %arg7[%add3A_49, %mul3A_57] : memref<1000x1000xf32, #tpu.memory_space<hbm>> -> memref<32x512xf32, #tpu.memory_space<hbm>>
      tpu.wait_dma2 semaphore(%run_scoped3A : memref<!tpu.dma_semaphore, #tpu.memory_space<semaphore_mem>>) src(%arg13 : memref<32x512xf32, #tpu.memory_space<vmem>>) dst(%dma_wait3A_59 : memref<32x512xf32, #tpu.memory_space<hbm>>)
      tpu.yield
    }) : () -> ()
    return
  }
}

</mosaic_0001>

<sc_bundles>
// kernel: kernel.3.cloned.1.call-start
scs
__scs_entry_jumppad:
0x0: {  	(pc) =	sbr.rel $0x88, $3  }
0x1: {  	(tag) =	ssettag $0x0;
	lr =	simm.s32 $0x1  }
0x2: {  	[smem:$0x3F9D] =	sst lr;
	_ =	strace $0xD0000000  }
0x3: {  	_ = 	snop  }
0x4: {  	_ = 	snop  }
0x5: {  	_ = 	snop  }
0x6: {  	_ = 	snop  }
0x7: {  	_ = 	snop  }
__scs_overlays_trampoline_lowered:
0x8: {  	[smem:$0x3FAC] =	sst s0  }
0x9: {  	[smem:$0x3FAD] =	sst s1  }
0xa: {  	[smem:$0x3FAE] =	sst s2  }
0xb: {  	[smem:$0x3FAF] =	sst s3  }
0xc: {  	[smem:$0x3FB0] =	sst s4  }
0xd: {  	[smem:$0x3FB1] =	sst s5  }
0xe: {  	[smem:$0x3FB2] =	sst s6  }
0xf: {  	[smem:$0x3FB3] =	sst s7  }
0x10: {  	[smem:$0x3FB4] =	sst s8  }
0x11: {  	[smem:$0x3FB5] =	sst s9;
	s0 =	simm.s32 @!p0 $0x0  }
0x12: {  	s1 =	sld [smem:$0x3F9B];
	s0 =	simm.s32 @p0 $0x1  }
0x13: {  	[smem:$0x3FB6] =	sst s0;
	s0 =	simm.s32 @!p1 $0x0  }
0x14: {  	s2 =	sld [smem:$0x3F9A];
	s0 =	simm.s32 @p1 $0x1  }
0x15: {  	[smem:$0x3FB7] =	sst s0;
	s0 =	simm.s32 @!p2 $0x0  }
0x16: {  	s3 =	sld [smem:$0x3FDB];
	s0 =	simm.s32 @p2 $0x1  }
0x17: {  	s4 =	simm.s32 $0x1BF5;
	[smem:$0x3FB9] =	sst s0  }
0x18: {  	s0 =	sld [smem:$0x3F9C];
	_ =	swait.ge [sflag:s4], $0x0  }
0x19: {  	s7 =	sld [smem:$0x3F9D]  }
0x1a: {  	s8 =	sadd.s32 $0xFFFFE003, lr  }
0x1b: {  	s9 =	sadd.s32 $0xFFFFFEF7, lr;
	s5 =	simm.s32 $0xFFFFFFFF;
	p2 =	slt.u32 s8, $0xFFFFF086  }
0x1c: {  	p1 =	slt.u32 s9, $0xF7A;
	s5 =	simm.s32 @!p2 $0x0  }
0x1d: {  	s5 =	simm.s32 @p1 $0x1;
	p0 =	seq.s32 s7, s2  }
0x1e: {  	s7 =	smul.u32 @!p0 $0xF7A, s2;
	p2 =	seq.s32 @!p0 s5, $0x0  }
0x1f: {  	s9 =	smul.u32 $0xF7A, s1;
	s8 =	simm.s32 @!p0 $0x1BF5;
	p2 =	por !p2, p0  }
0x20: {  	[sflag:s8] =	ssyncset.s32 @!p0 $0xFFFFF086;
	s6 =	sadd.s32 @!p0 s3, s7;
	s7 =	simm.s32 @!p0 $0x108  }
0x21: {  	s3 =	sadd.s32 s3, s9;
	s6 =	sadd.s32 @!p0 $0x88, s6;
	s7 =	simm.s32 @p2 $0x1082  }
0x22: {  	[simem:s7], [sflag:s8] =	dma.local @!p0 [hbm:s6], $0xF7A  }
0x23: {  	s9 =	sor.u32 $0xD0000000, s2;
	s6 =	simm.s32 $0x108;
	_ =	swait.ge @!p0 [sflag:s8], $0x0  }
0x24: {  	s3 =	sadd.s32 $0x88, s3;
	s6 =	simm.s32 @!p1 $0x1082;
	[sflag:s4] =	ssyncset.s32 $0xFFFFF086  }
0x25: {  	[simem:s6], [sflag:s4] =	dma.local [hbm:s3], $0xF7A  }
0x26: {  	[smem:$0x3F9D] =	sst s1;
	(tag) =	ssettag s2;
	_ =	strace s9  }
0x27: {  	s1 =	sld [smem:$0x3FAD]  }
0x28: {  	s2 =	sld [smem:$0x3FAE]  }
0x29: {  	s4 =	sld [smem:$0x3FB0]  }
0x2a: {  	p0 =	seq.s32 s5, $0x0;
	s5 =	sld [smem:$0x3FB1]  }
0x2b: {  	s6 =	sld [smem:$0x3FB2]  }
0x2c: {  	s7 =	sld [smem:$0x3FB3]  }
0x2d: {  	s3 =	simm.s32 $0x108;
	s8 =	sld [smem:$0x3FB4]  }
0x2e: {  	s3 =	simm.s32 @!p0 $0x1082;
	s9 =	sld [smem:$0x3FB5]  }
0x2f: {  	lr =	sadd.s32 s0, s3;
	s0 =	sld [smem:$0x3FAC]  }
0x30: {  	s3 =	sld [smem:$0x3FAF]  }
0x31: {  	[smem:$0x3FB8] =	sst s10  }
0x32: {  	s10 =	sld [smem:$0x3FB6];
	_ =	sdelay $0x3  }
0x33: {  	p0 =	seq.s32 s10, $0x1;
	s10 =	sld [smem:$0x3FB8];
	_ =	sdelay $0x3  }
0x34: {  	[smem:$0x3FB8] =	sst s10  }
0x35: {  	s10 =	sld [smem:$0x3FB7];
	_ =	sdelay $0x3  }
0x36: {  	p1 =	seq.s32 s10, $0x1;
	s10 =	sld [smem:$0x3FB8];
	_ =	sdelay $0x3  }
0x37: {  	[smem:$0x3FB8] =	sst s10  }
0x38: {  	s10 =	sld [smem:$0x3FB9]  }
0x39: {  	_ = 	snop;
	(pc) =	sbr.ind lr, $3  }
0x3a: {  	_ = 	snop  }
0x3b: {  	_ = 	snop  }
0x3c: {  	p2 =	seq.s32 s10, $0x1;
	s10 =	sld [smem:$0x3FB8]  }
0x3d: {  	_ =	shalt  }
0x3e: {  	_ =	shalt  }
0x3f: {  	_ =	shalt  }
0x40: {  	_ =	shalt  }
0x41: {  	_ =	shalt  }
0x42: {  	_ =	shalt  }
0x43: {  	_ =	shalt  }
0x44: {  	_ =	shalt  }
0x45: {  	_ =	shalt  }
0x46: {  	_ =	shalt  }
0x47: {  	_ =	shalt  }
0x48: {  	_ =	shalt  }
0x49: {  	_ =	shalt  }
0x4a: {  	_ =	shalt  }
0x4b: {  	_ =	shalt  }
0x4c: {  	_ =	shalt  }
0x4d: {  	_ =	shalt  }
0x4e: {  	_ =	shalt  }
0x4f: {  	_ =	shalt  }
0x50: {  	_ =	shalt  }
0x51: {  	_ =	shalt  }
0x52: {  	_ =	shalt  }
0x53: {  	_ =	shalt  }
0x54: {  	_ =	shalt  }
0x55: {  	_ =	shalt  }
0x56: {  	_ =	shalt  }
0x57: {  	_ =	shalt  }
0x58: {  	_ =	shalt  }
0x59: {  	_ =	shalt  }
0x5a: {  	_ =	shalt  }
0x5b: {  	_ =	shalt  }
0x5c: {  	_ =	shalt  }
0x5d: {  	_ =	shalt  }
0x5e: {  	_ =	shalt  }
0x5f: {  	_ =	shalt  }
0x60: {  	_ =	shalt  }
0x61: {  	_ =	shalt  }
0x62: {  	_ =	shalt  }
0x63: {  	_ =	shalt  }
0x64: {  	_ =	shalt  }
0x65: {  	_ =	shalt  }
0x66: {  	_ =	shalt  }
0x67: {  	_ =	shalt  }
0x68: {  	_ =	shalt  }
0x69: {  	_ =	shalt  }
0x6a: {  	_ =	shalt  }
0x6b: {  	_ =	shalt  }
0x6c: {  	_ =	shalt  }
0x6d: {  	_ =	shalt  }
0x6e: {  	_ =	shalt  }
0x6f: {  	_ =	shalt  }
0x70: {  	_ =	shalt  }
0x71: {  	_ =	shalt  }
0x72: {  	_ =	shalt  }
0x73: {  	_ =	shalt  }
0x74: {  	_ =	shalt  }
0x75: {  	_ =	shalt  }
0x76: {  	_ =	shalt  }
0x77: {  	_ =	shalt  }
0x78: {  	_ =	shalt  }
0x79: {  	_ =	shalt  }
0x7a: {  	_ =	shalt  }
0x7b: {  	_ =	shalt  }
0x7c: {  	_ =	shalt  }
0x7d: {  	_ =	shalt  }
0x7e: {  	_ =	shalt  }
0x7f: {  	_ =	shalt  }
0x80: {  	_ =	shalt  }
0x81: {  	_ =	shalt  }
0x82: {  	_ =	shalt  }
0x83: {  	_ =	shalt  }
0x84: {  	_ =	shalt  }
0x85: {  	_ =	shalt  }
0x86: {  	_ =	shalt  }
0x87: {  	_ =	shalt  }
.Lfunc_end0:
.L_simem_size_0:
called_computation_lowered:
.L_overlay_start_0:
0x88: {  	s2 =	sld [smem:$0x3FD9]  }
0x89: {  	s3 =	sld [smem:$0x3FFE];
	_ =	sdelay $0x1  }
0x8a: {  	s1 =	srdreg.scid  }
0x8b: {  	s0 =	sand.u32 $0x1, s1  }
0x8c: {  	s17 =	sshll.u32 s0, $0xA;
	s2 =	sadd.s32 s3, s2  }
0x8d: {  	s2 =	sadd.s32 s2, s17  }
0x8e: {  	[smem:$0x3FC4] =	sst s2  }
0x8f: {  	_ = 	snop  }
0x90: {  	s2 =	sld [smem:$0x3FC8]  }
0x91: {  	s18 =	sld [smem:$0x3FD0];
	(tm) =	ssettm $0x1  }
0x92: {  	s4 =	sld [smem:$0x3FFB];
	_ =	sdelay $0x3  }
0x93: {  	_ =	strace s4  }
0x94: {  	s4 =	sld [smem:$0x3FFC];
	_ =	sdelay $0x3  }
0x95: {  	_ =	strace s4  }
0x96: {  	s4 =	sld [smem:$0x3FFD];
	_ =	sdelay $0x3  }
0x97: {  	_ =	strace s4  }
0x98: {  	_ =	strace $0x8FFFFFFF  }
0x99: {  	s19 =	sld [smem:$0x3FDB];
	_ =	sdelay $0x1  }
0x9a: {  	s5 =	simm.s32 $_scs_section_size  }
0x9b: {  	s6 =	simm.s32 $_size__tile_overlayer_lowered;
	s7 =	simm.s32 $_tile_overlayer_lowered  }
0x9c: {  	s22 =	simm.s32 $0x1BFF;
	s21 =	sshll.u32 s7, $0x1;
	s4 =	sadd.s32 s5, s19  }
0x9d: {  	s8 =	simm.s32 $0x0;
	s20 =	sshll.u32 s6, $0x1;
	s6 =	sadd.s32 s21, s4  }
0x9e: {  	[timem:s8], [sflag:s22] =	dma.local [hbm:s6], s20  }
0x9f: {  	_ =	swait.ge [sflag:s22], s20  }
0xa0: {  	s5 =	ssub.s32 $0x0, s20;
	[sflag:s22] =	ssyncset.done $0x0  }
0xa1: {  	[sflag:s22] =	ssyncadd.s32 s5;
	_ =	sdelay $0x1  }
0xa2: {  	s23 =	simm.s32 $0x1B8B  }
0xa3: {  	_ =	swait.ge [sflag:s23], $0x1  }
0xa4: {  	[sflag:s23] =	ssyncset.done $0x0  }
0xa5: {  	s25 =	simm.s32 $0x1B8E;
	s24 =	sld [smem:$0x3FFE];
	[sflag:s23] =	ssyncadd.s32 $0xFFFFFFFF  }
0xa6: {  	s26 =	simm.s32 $execute0_lowered;
	[smem:$0x3FD2] =	sst s25  }
0xa7: {  	s6 =	sshll.u32 s26, $0x1;
	_ =	strace $0x80000046;
	[dreg:$0x1] =	wrdreg $0xFFFFFFFF  }
0xa8: {  	s28 =	simm.s32 $_size_execute0_lowered;
	s4 =	sadd.s32 s4, s6;
	[dreg:$0x0] =	wrdreg $0x0  }
0xa9: {  	s6 =	sshll.u32 s28, $0x1;
	[dreg:$0x2] =	wrdreg s4  }
0xaa: {  	[dreg:$0x3] =	wrdreg s6  }
0xab: {  	[dreg:$0x4] =	wrdreg $0xC0  }
0xac: {  	_ =	task [dreg:s8], $0x5FFFF  }
0xad: {  	[dreg:$0x1] =	wrdreg $0xFFFFFFFF  }
0xae: {  	[dreg:$0x0] =	wrdreg $0x60  }
0xaf: {  	[dreg:$0x2] =	wrdreg s24  }
0xb0: {  	[dreg:$0x3] =	wrdreg s2  }
0xb1: {  	[dreg:$0x4] =	wrdreg s18  }
0xb2: {  	[dreg:$0x5] =	wrdreg $0x0  }
0xb3: {  	[dreg:$0x6] =	wrdreg $0x9  }
0xb4: {  	_ =	task.clear_ibuf [dreg:s8], $0x7FFFF;
	_ =	strace $0x90000046  }
0xb5: {  	s29 =	simm.s32 $0x9;
	_ =	strace $0x80000048  }
0xb6: {  	_ =	swait.ge [sflag:s29], $0x1  }
0xb7: {  	[sflag:s29] =	ssyncadd.s32 $0xFFFFFFFF  }
0xb8: {  	_ =	strace $0x90000048  }
0xb9: {  	_ =	sfence  }
0xba: {  	s30 =	sld [smem:$0x0];
	_ =	sdelay $0x2  }
0xbb: {  	s31 =	sshll.u32 s1, $0xD;
	s1 =	sshrl.u32 s1, $0x2  }
0xbc: {  	s3 =	sand.u32 $0x4000, s31;
	s1 =	sadd.s32 s1, s30  }
0xbd: {  	s0 =	sor.u32 s3, s0;
	s1 =	sshll.u32 s1, $0x11  }
0xbe: {  	s0 =	sor.u32 s1, s0  }
0xbf: {  	s0 =	sadd.s32 $0x8F2B, s0  }
0xc0: {  	[sflag:s0] =	ssyncadd.remote.s32 $0x1  }
0xc1: {  	_ =	sfence.sel $0xFFFF  }
0xc2: {  	[dreg:$0x0] =	wrdreg $0xFFFFFFFF;
	(pc) =	sbr.abs _section_cstart, $3  }
0xc3: {  	[dreg:$0x1] =	wrdreg $0xFFFFFFFF  }
0xc4: {  	_ =	task.clear_ibuf [dreg:s8], $0x2FFFF;
	_ =	strace $0x9FFFFFFF  }
0xc5: {  	(tm) =	ssettm $0x7FFFFFFF  }
tec
execute0_lowered:
.L_overlay_start_1:
0x0: {  	(tag) =	ssettag $0x1  }
0x1: {  	s0 =	rddreg [dreg:$0x0]  }
0x2: {  	s1 =	rddreg [dreg:$0x1]  }
0x3: {  	s9 =	rddreg [dreg:$0x2]  }
0x4: {  	s2 =	rddreg [dreg:$0x3]  }
0x5: {  	s3 =	simm.s32 $0x0;
	s16 =	stileid.u32;
	s5 =	srdreg.scid  }
0x6: {  	s29 =	simm.s32 $0xC970;
	s30 =	simm.s32 $0x10;
	s31 =	simm.s32 $0xC4F0  }
0x7: {  	s28 =	simm.s32 $0x14C80;
	s20 =	simm.s32 $0x0;
	[smem:$0x7FF] =	sst s3  }
0x8: {  	s6 =	sshll.u32 s16, $0x6;
	s4 =	sadd.s32 $0x200A00, s0;
	s5 =	sand.u32 $0x1, s5  }
0x9: {  	s12 =	sadd.s32 $0xA00, s0;
	s13 =	sadd.s32 $0xE00, s0;
	s10 =	smul.u32 $0xFA000, s16  }
0xa: {  	s11 =	smin.u32 s6, $0x3A8;
	s21 =	ssub.s32 $0x2, s5;
	s5 =	smul.u32 $0x1E8, s5  }
0xb: {  	s0 =	sadd.s32 $0x1200, s0;
	_ =	strace $0x80000047;
	s7 =	smul.u32 $0x840, s11  }
0xc: {  	s8 =	sshrl.u32 s21, $0x1;
	s17 =	sadd.s32 $0x20, s11;
	s15 =	smul.u32 $0x3E8, s11  }
0xd: {  	s25 =	sadd.s32 s12, s11;
	s11 =	sadd.s32 s13, s11;
	s14 =	ssub.s32 s21, s8  }
0xe: {  	s8 =	sshll.u32 s16, $0xA;
	s10 =	sor.u32 s5, s10;
	[dreg:$0x7] =	wrdreg s25  }
0xf: {  	s16 =	sshll.u32 s16, $0x7;
	[dreg:$0x8] =	wrdreg s11;
	s21 =	simm.s32 $0x3  }
0x10: {  	s25 =	simm.s32 $0x10980;
	s22 =	sshrl.u32 s7, $0x2;
	s7 =	sadd.s32 $0x10800, s7  }
0x11: {  	s10 =	sshrl.u32 s10, $0x3;
	s15 =	sadd.s32 s5, s15;
	s1 =	sadd.s32 s1, s16  }
0x12: {  	s16 =	sadd.s32 s12, s17;
	s17 =	sadd.s32 s13, s17;
	s19 =	smax.u32 s14, $0x1  }
0x13: {  	v0 =	vimm.s32 $0xEDCBA987;
	s6 =	sadd.s32 s22, s2;
	s7 =	sshrl.u32 s7, $0x2;
	[dreg:$0x5] =	wrdreg s1  }
0x14: {  	v1 =	vimm.s32 $0x65432100;
	v0 =	vunpack.c.l.s4.s8 v0;
	s10 =	sadd.s32 s4, s10;
	s23 =	sshrl.u32 s15, $0x3;
	s15 =	sadd.s32 $0x7D00, s15  }
0x15: {  	v1 =	vunpack.c.l.s4.s8 v1;
	s22 =	simm.s32 $0x200;
	s7 =	sadd.s32 s7, s2;
	s24 =	sadd.s32 s9, s23  }
0x16: {  	v2 =	vunpack.c.0.s8.s32 v0;
	s1 =	sadd.s32 s0, s23;
	s26 =	sshrl.u32 s15, $0x3;
	[dreg:$0x6] =	wrdreg s24  }
0x17: {  	vm0 =	vcmask $0x300;
	v3 =	vunpack.c.0.s8.s32 v1;
	s23 =	simm.s32 $0x3E8;
	[dreg:$0x9] =	wrdreg s1;
	s9 =	sadd.s32 s9, s26  }
0x18: {  	v0 =	vimm.f32 $0.0e+00;
	v1 =	vlaneseq.u32;
	v4 =	vand.u32 $0xF, v2;
	s18 =	sadd.s32 s0, s26;
	s0 =	simm.s32 $0x2;
	s1 =	simm.s32 $0x1  }
0x19: {  	v2 =	vsel vm0, $0x3F800000, v0;
	v3 =	vcombine.low v3, v4;
	v4 =	vor.u32 $0x80000000, v1;
	s24 =	simm.s32 $0xC980;
	s26 =	simm.s32 $0x14B80;
	[dreg:$0xa] =	wrdreg s9  }
.LBB2_1:
0x1a: {  	s9 =	simm.s32 $0x0;
	s11 =	simm.s32 $0x840  }
.LBB2_2:
0x1b: {  	p0 =	sne.s32 s11, $0xFFC0;
	[tilespmem:s9+$0x83F0] =	vst v0  }
0x1c: {  	[tilespmem:s9+$0x81F0] =	vst v0  }
0x1d: {  	[tilespmem:s9+$0x8200] =	vst v0  }
0x1e: {  	[tilespmem:s9+$0x8210] =	vst v0  }
0x1f: {  	[tilespmem:s9+$0x8220] =	vst v0  }
0x20: {  	[tilespmem:s9+$0x8230] =	vst v0  }
0x21: {  	[tilespmem:s9+$0x8240] =	vst v0  }
0x22: {  	[tilespmem:s9+$0x8250] =	vst v0  }
0x23: {  	[tilespmem:s9+$0x8260] =	vst v0  }
0x24: {  	[tilespmem:s9+$0x8270] =	vst v0  }
0x25: {  	[tilespmem:s9+$0x8280] =	vst v0  }
0x26: {  	[tilespmem:s9+$0x8290] =	vst v0  }
0x27: {  	[tilespmem:s9+$0x82A0] =	vst v0  }
0x28: {  	[tilespmem:s9+$0x82B0] =	vst v0  }
0x29: {  	[tilespmem:s9+$0x82C0] =	vst v0  }
0x2a: {  	[tilespmem:s9+$0x82D0] =	vst v0  }
0x2b: {  	[tilespmem:s9+$0x82E0] =	vst v0  }
0x2c: {  	[tilespmem:s9+$0x82F0] =	vst v0  }
0x2d: {  	[tilespmem:s9+$0x8300] =	vst v0  }
0x2e: {  	[tilespmem:s9+$0x8310] =	vst v0  }
0x2f: {  	[tilespmem:s9+$0x8320] =	vst v0  }
0x30: {  	[tilespmem:s9+$0x8330] =	vst v0  }
0x31: {  	[tilespmem:s9+$0x8340] =	vst v0  }
0x32: {  	[tilespmem:s9+$0x8350] =	vst v0  }
0x33: {  	[tilespmem:s9+$0x8360] =	vst v0  }
0x34: {  	[tilespmem:s9+$0x8370] =	vst v0  }
0x35: {  	[tilespmem:s9+$0x8380] =	vst v0  }
0x36: {  	[tilespmem:s9+$0x8390] =	vst v0  }
.Ltmp0:
0x37: {  	[tilespmem:s9+$0x83A0] =	vst v0;
	(pc) =	sbr.rel @p0 .LBB2_2-.Ltmp0, $4  }
0x38: {  	[tilespmem:s9+$0x83B0] =	vst v0  }
0x39: {  	[tilespmem:s9+$0x83C0] =	vst v0  }
0x3a: {  	[tilespmem:s9+$0x83D0] =	vst v0  }
0x3b: {  	[tilespmem:s9+$0x83E0] =	vst v0;
	s9 =	sshra.s32 s11, $0x2;
	s11 =	sadd.s32 $0x840, s11  }
0x3c: {  	[tilespmem:s9+$0x83F0] =	vst v0  }
0x3d: {  	[tilespmem:s9+$0x81F0] =	vst v0  }
0x3e: {  	[tilespmem:s9+$0x8200] =	vst v0  }
0x3f: {  	[tilespmem:s9+$0x8210] =	vst v0  }
0x40: {  	[tilespmem:s9+$0x8220] =	vst v0  }
0x41: {  	[tilespmem:s9+$0x8230] =	vst v0  }
0x42: {  	[tilespmem:s9+$0x8240] =	vst v0  }
0x43: {  	[tilespmem:s9+$0x8250] =	vst v0  }
0x44: {  	[tilespmem:s9+$0x8260] =	vst v0  }
0x45: {  	[tilespmem:s9+$0x8270] =	vst v0  }
0x46: {  	[tilespmem:s9+$0x8280] =	vst v0  }
0x47: {  	[tilespmem:s9+$0x8290] =	vst v0  }
0x48: {  	[tilespmem:s9+$0x82A0] =	vst v0  }
0x49: {  	[tilespmem:s9+$0x82B0] =	vst v0  }
0x4a: {  	[tilespmem:s9+$0x82C0] =	vst v0  }
0x4b: {  	[tilespmem:s9+$0x82D0] =	vst v0  }
0x4c: {  	[tilespmem:s9+$0x82E0] =	vst v0  }
0x4d: {  	[tilespmem:s9+$0x82F0] =	vst v0  }
0x4e: {  	[tilespmem:s9+$0x8300] =	vst v0  }
0x4f: {  	[tilespmem:s9+$0x8310] =	vst v0  }
0x50: {  	[tilespmem:s9+$0x8320] =	vst v0  }
0x51: {  	[tilespmem:s9+$0x8330] =	vst v0  }
0x52: {  	[tilespmem:s9+$0x8340] =	vst v0  }
0x53: {  	[tilespmem:s9+$0x8350] =	vst v0  }
0x54: {  	[tilespmem:s9+$0x8360] =	vst v0  }
0x55: {  	[tilespmem:s9+$0x8370] =	vst v0  }
0x56: {  	[tilespmem:s9+$0x8380] =	vst v0  }
0x57: {  	[tilespmem:s9+$0x8390] =	vst v0  }
0x58: {  	[tilespmem:s9+$0x83A0] =	vst v0  }
0x59: {  	[tilespmem:s9+$0x83B0] =	vst v0  }
0x5a: {  	[tilespmem:s9+$0x83C0] =	vst v0  }
0x5b: {  	[tilespmem:s9+$0x83D0] =	vst v0  }
0x5c: {  	[tilespmem:s9+$0x83E0] =	vst v0;
	s12 =	simm.s32 $0x81F0  }
0x5d: {  	[spmem:s6] =	stream.linear.scatter [tilespmem:s12], [sflag:$0x3], $0x4200, $0x38;
	[tilespmem:$0x14D80] =	vst v63  }
0x5e: {  	_ =	swait.ge [sflag:s21], $0x4200  }
0x5f: {  	[sflag:s21] =	ssyncset.done $0x0  }
0x60: {  	[sflag:s21] =	ssyncadd.s32 $0xFFFFBE00  }
0x61: {  	[spmem:s7] =	stream.linear.scatter [tilespmem:s12], [sflag:$0x3], $0x4200, $0x38;
	[tilespmem:$0x14D80] =	vst v63  }
0x62: {  	_ =	swait.ge [sflag:s21], $0x4200  }
0x63: {  	[sflag:s21] =	ssyncset.done $0x0  }
0x64: {  	[sflag:s21] =	ssyncadd.s32 $0xFFFFBE00  }
0x65: {  	[bflag:$0x0] =	sbarrier.arrive $0xFFFF  }
0x66: {  	[tilespmem:$0x81F0] =	vst v2  }
0x67: {  	[tilespmem:$0x8400] =	vst v2  }
0x68: {  	[tilespmem:$0x8610] =	vst v2  }
0x69: {  	[tilespmem:$0x8820] =	vst v2  }
0x6a: {  	[tilespmem:$0x8A30] =	vst v2  }
0x6b: {  	[tilespmem:$0x8C40] =	vst v2  }
0x6c: {  	[tilespmem:$0x8E50] =	vst v2  }
0x6d: {  	[tilespmem:$0x9060] =	vst v2  }
0x6e: {  	[tilespmem:$0x9270] =	vst v2  }
0x6f: {  	[tilespmem:$0x9480] =	vst v2  }
0x70: {  	[tilespmem:$0x9690] =	vst v2  }
0x71: {  	[tilespmem:$0x98A0] =	vst v2  }
0x72: {  	[tilespmem:$0x9AB0] =	vst v2  }
0x73: {  	[tilespmem:$0x9CC0] =	vst v2  }
0x74: {  	[tilespmem:$0x9ED0] =	vst v2  }
0x75: {  	[tilespmem:$0xA0E0] =	vst v2  }
0x76: {  	[tilespmem:$0xA2F0] =	vst v2  }
0x77: {  	[tilespmem:$0xA500] =	vst v2  }
0x78: {  	[tilespmem:$0xA710] =	vst v2  }
0x79: {  	[tilespmem:$0xA920] =	vst v2  }
0x7a: {  	[tilespmem:$0xAB30] =	vst v2  }
0x7b: {  	[tilespmem:$0xAD40] =	vst v2  }
0x7c: {  	[tilespmem:$0xAF50] =	vst v2  }
0x7d: {  	[tilespmem:$0xB160] =	vst v2  }
0x7e: {  	[tilespmem:$0xB370] =	vst v2  }
0x7f: {  	[tilespmem:$0xB580] =	vst v2  }
0x80: {  	[tilespmem:$0xB790] =	vst v2  }
0x81: {  	[tilespmem:$0xB9A0] =	vst v2  }
0x82: {  	[tilespmem:$0xBBB0] =	vst v2  }
0x83: {  	[tilespmem:$0xBDC0] =	vst v2  }
0x84: {  	[tilespmem:$0xBFD0] =	vst v2  }
0x85: {  	s9 =	simm.s32 $0x0;
	s12 =	simm.s32 $0xC570;
	[tilespmem:$0xC1E0] =	vst v2;
	s11 =	rddreg [dreg:$0x5]  }
0x86: {  	[tilespmem:s12], [sflag:$0x3] =	stream.linear.gather [hbm4b:s11+s9], $0x400, $0x38;
	[tilespmem:$0x14D80] =	vst v63  }
0x87: {  	_ =	swait.ge [sflag:s21], $0x400  }
0x88: {  	[sflag:s21] =	ssyncset.done $0x0  }
0x89: {  	s13 =	simm.s32 $0x8200;
	[sflag:s21] =	ssyncadd.s32 $0xFFFFFC00  }
0x8a: {  	[tilespmem:s13], [sflag:$0x3] =	stream.linear.gather [hbm4b:s10+s9], $0x200, $0x38;
	[tilespmem:$0x14D80] =	vst v63  }
0x8b: {  	s14 =	sadd.s32 $0x7D, s10;
	s15 =	simm.s32 $0x8410  }
0x8c: {  	[tilespmem:s15], [sflag:$0x3] =	stream.linear.gather [hbm4b:s14+s9], $0x200, $0x38;
	[tilespmem:$0x14D80] =	vst v63  }
0x8d: {  	s12 =	sadd.s32 $0xFA, s10;
	s13 =	simm.s32 $0x8620  }
0x8e: {  	[tilespmem:s13], [sflag:$0x3] =	stream.linear.gather [hbm4b:s12+s9], $0x200, $0x38;
	[tilespmem:$0x14D80] =	vst v63  }
0x8f: {  	s14 =	sadd.s32 $0x177, s10;
	s15 =	simm.s32 $0x8830  }
0x90: {  	[tilespmem:s15], [sflag:$0x3] =	stream.linear.gather [hbm4b:s14+s9], $0x200, $0x38;
	[tilespmem:$0x14D80] =	vst v63  }
0x91: {  	s12 =	sadd.s32 $0x1F4, s10;
	s13 =	simm.s32 $0x8A40  }
0x92: {  	[tilespmem:s13], [sflag:$0x3] =	stream.linear.gather [hbm4b:s12+s9], $0x200, $0x38;
	[tilespmem:$0x14D80] =	vst v63  }
0x93: {  	s14 =	sadd.s32 $0x271, s10;
	s15 =	simm.s32 $0x8C50  }
0x94: {  	[tilespmem:s15], [sflag:$0x3] =	stream.linear.gather [hbm4b:s14+s9], $0x200, $0x38;
	[tilespmem:$0x14D80] =	vst v63  }
0x95: {  	s12 =	sadd.s32 $0x2EE, s10;
	s13 =	simm.s32 $0x8E60  }
0x96: {  	[tilespmem:s13], [sflag:$0x3] =	stream.linear.gather [hbm4b:s12+s9], $0x200, $0x38;
	[tilespmem:$0x14D80] =	vst v63  }
0x97: {  	s14 =	sadd.s32 $0x36B, s10;
	s15 =	simm.s32 $0x9070  }
0x98: {  	[tilespmem:s15], [sflag:$0x3] =	stream.linear.gather [hbm4b:s14+s9], $0x200, $0x38;
	[tilespmem:$0x14D80] =	vst v63  }
0x99: {  	s12 =	sadd.s32 $0x3E8, s10;
	s13 =	simm.s32 $0x9280  }
0x9a: {  	[tilespmem:s13], [sflag:$0x3] =	stream.linear.gather [hbm4b:s12+s9], $0x200, $0x38;
	[tilespmem:$0x14D80] =	vst v63  }
0x9b: {  	s14 =	sadd.s32 $0x465, s10;
	s15 =	simm.s32 $0x9490  }
0x9c: {  	[tilespmem:s15], [sflag:$0x3] =	stream.linear.gather [hbm4b:s14+s9], $0x200, $0x38;
	[tilespmem:$0x14D80] =	vst v63  }
0x9d: {  	s12 =	sadd.s32 $0x4E2, s10;
	s13 =	simm.s32 $0x96A0  }
0x9e: {  	[tilespmem:s13], [sflag:$0x3] =	stream.linear.gather [hbm4b:s12+s9], $0x200, $0x38;
	[tilespmem:$0x14D80] =	vst v63  }
0x9f: {  	s14 =	sadd.s32 $0x55F, s10;
	s15 =	simm.s32 $0x98B0  }
0xa0: {  	[tilespmem:s15], [sflag:$0x3] =	stream.linear.gather [hbm4b:s14+s9], $0x200, $0x38;
	[tilespmem:$0x14D80] =	vst v63  }
0xa1: {  	s12 =	sadd.s32 $0x5DC, s10;
	s13 =	simm.s32 $0x9AC0  }
0xa2: {  	[tilespmem:s13], [sflag:$0x3] =	stream.linear.gather [hbm4b:s12+s9], $0x200, $0x38;
	[tilespmem:$0x14D80] =	vst v63  }
0xa3: {  	s14 =	sadd.s32 $0x659, s10;
	s15 =	simm.s32 $0x9CD0  }
0xa4: {  	[tilespmem:s15], [sflag:$0x3] =	stream.linear.gather [hbm4b:s14+s9], $0x200, $0x38;
	[tilespmem:$0x14D80] =	vst v63  }
0xa5: {  	s12 =	sadd.s32 $0x6D6, s10;
	s13 =	simm.s32 $0x9EE0  }
0xa6: {  	[tilespmem:s13], [sflag:$0x3] =	stream.linear.gather [hbm4b:s12+s9], $0x200, $0x38;
	[tilespmem:$0x14D80] =	vst v63  }
.Ltmp1:
0xa7: {  	s14 =	sadd.s32 $0x753, s10;
	s15 =	simm.s32 $0xA0F0;
	(pc) =	sbr.rel .LBB2_4-.Ltmp1, $4  }
0xa8: {  	[tilespmem:s15], [sflag:$0x3] =	stream.linear.gather [hbm4b:s14+s9], $0x200, $0x38;
	[tilespmem:$0x14D80] =	vst v63  }
0xa9: {  	_ =	swait.ge [sflag:s21], $0x2000  }
0xaa: {  	[sflag:s21] =	ssyncset.done $0x0  }
0xab: {  	[sflag:s21] =	ssyncadd.s32 $0xFFFFE000  }
.LBB2_8:
0xac: {  	vm0 =	veq.s32 v6, s14  }
0xad: {  	[sflag:s21] =	ssyncadd.s32 @p0 $0xFFFFDF00;
	v5 =	vnsel vm0, $0x3E8, v5  }
0xae: {  	[tilespmem:$0xC4F0] =	vst v5  }
0xaf: {  	[spmem:s2] =	stream.indirect.scatter.add.f32 [tilespmem:s11], [sflag:$0x3], $0x210, s31, s30, $0xb8;
	[tilespmem:$0x14D80] =	vst v63  }
0xb0: {  	_ =	swait.ge [sflag:s21], $0x2100  }
0xb1: {  	[sflag:s21] =	ssyncset.done $0x0  }
0xb2: {  	[sflag:s21] =	ssyncadd.s32 $0xFFFFDF00  }
.LBB2_9:
0xb3: {  	_ =	swait.ge [sflag:s0], $0x2100;
	p0 =	sne.s32 s9, $0x40  }
.Ltmp2:
0xb4: {  	[sflag:s0] =	ssyncset.done $0x0;
	(pc) =	sbr.rel @!p0 .LBB2_10-.Ltmp2, $4  }
0xb5: {  	[sflag:s0] =	ssyncadd.s32 $0xFFFFDF00  }
0xb6: {  	_ =	swait.ge [sflag:s1], $0x2000  }
0xb7: {  	[sflag:s1] =	ssyncset.done $0x0  }
0xb8: {  	[sflag:s1] =	ssyncadd.s32 $0xFFFFE000  }
.LBB2_4:
0xb9: {  	s11 =	sshll.u32 s9, $0x4  }
0xba: {  	s12 =	sand.u32 $0x3FFFFFF0, s11  }
0xbb: {  	v5 =	vld [tilespmem:s12+$0xC570];
	_ =	sdelay $0x4  }
0xbc: {  	v6 =	vxor.u32 $0x80000000, v5  }
0xbd: {  	(xrf1) =	vsort.ascd.msk.u32 $0xffff, v6, v1;
	_ =	sdelay $0xd  }
0xbe: {  	v6, v7, _ =	vpop (xrf1)  }
0xbf: {  	v6 =	vxor.u32 $0x80000000, v6  }
0xc0: {  	[tilespmem:$0xC970] =	vst v6  }
0xc1: {  	v8 =	vld.idx.msk [tilespmem:v3+s29+$0x0], $0xffff;
	_ =	sdelay $0x4  }
0xc2: {  	vm0 =	veq.s32 v6, v8  }
0xc3: {  	v6 =	vsel vm0, $0x80000000, v4  }
0xc4: {  	(xrf0) =	vmax.scan.msk.u32 $0xffff, v6;
	_ =	sdelay $0x5  }
0xc5: {  	v6, _, _ =	vpop (xrf0)  }
0xc6: {  	v6 =	vxor.u32 $0x80000000, v6  }
0xc7: {  	v6 =	vsub.s32 v1, v6  }
0xc8: {  	[tilespmem:v7+s29+$0x0] =	vst.idx.msk $0xffff, v6  }
0xc9: {  	v6 =	vld [tilespmem:$0xC970];
	_ =	sdelay $0x2  }
0xca: {  	s14 =	sand.u32 $0x1, s9;
	s9 =	sadd.s32 $0x1, s9  }
0xcb: {  	p0 =	seq.s32 s14, $0x1;
	s14 =	smin.u32 s9, $0x3F  }
0xcc: {  	s12 =	sshll.u32 s14, $0x4;
	vm15 =	veq.s32 v6, $0x0  }
0xcd: {  	s13 =	sand.u32 $0x70, s11;
	s11 =	simm.s32 $0xA2F0;
	s12 =	sor.u32 s8, s12;
	v7 =	vnsel vm15, $0x3E8, v5  }
0xce: {  	s15 =	sadd.s32 $0xC3F0, s13;
	s11 =	simm.s32 @!p0 $0x81F0;
	s12 =	smul.u32 $0x3E8, s12;
	[tilespmem:s13+$0xC3F0] =	vst v7  }
0xcf: {  	[spmem:s2] =	stream.indirect.scatter.add.f32 [tilespmem:s11], [sflag:$0x2], $0x210, s15, s30, $0xb8;
	[tilespmem:$0x14D80] =	vst v63  }
0xd0: {  	s15 =	sand.u32 $0x1, s9  }
0xd1: {  	s12 =	sadd.s32 s5, s12;
	s13 =	simm.s32 $0x2110;
	p0 =	seq.s32 s15, $0x1  }
0xd2: {  	s12 =	sshrl.u32 s12, $0x3;
	s13 =	simm.s32 @!p0 $0x10  }
0xd3: {  	s12 =	sadd.s32 s4, s12;
	s14 =	sadd.s32 $0x81F0, s13  }
0xd4: {  	[tilespmem:s14], [sflag:$0x1] =	stream.linear.gather [hbm4b:s12+s3], $0x200, $0x38;
	[tilespmem:$0x14D80] =	vst v63  }
0xd5: {  	s15 =	sor.u32 $0x8400, s13;
	s14 =	sadd.s32 $0x7D, s12  }
0xd6: {  	[tilespmem:s15], [sflag:$0x1] =	stream.linear.gather [hbm4b:s14+s3], $0x200, $0x38;
	[tilespmem:$0x14D80] =	vst v63  }
0xd7: {  	s14 =	sadd.s32 $0xFA, s12;
	s15 =	sadd.s32 $0x8610, s13  }
0xd8: {  	[tilespmem:s15], [sflag:$0x1] =	stream.linear.gather [hbm4b:s14+s3], $0x200, $0x38;
	[tilespmem:$0x14D80] =	vst v63  }
0xd9: {  	s14 =	sadd.s32 $0x177, s12;
	s15 =	sor.u32 $0x8820, s13  }
0xda: {  	[tilespmem:s15], [sflag:$0x1] =	stream.linear.gather [hbm4b:s14+s3], $0x200, $0x38;
	[tilespmem:$0x14D80] =	vst v63  }
0xdb: {  	s14 =	sadd.s32 $0x1F4, s12;
	s15 =	sadd.s32 $0x8A30, s13  }
0xdc: {  	v7 =	vxor.u32 $0x80000000, v6;
	[tilespmem:s15], [sflag:$0x1] =	stream.linear.gather [hbm4b:s14+s3], $0x200, $0x38;
	[tilespmem:$0x14D80] =	vst v63  }
0xdd: {  	(xrf0) =	vmax.scan.msk.u32 $0xffff, v7;
	s14 =	sadd.s32 $0x271, s12;
	s15 =	sor.u32 $0x8C40, s13  }
0xde: {  	[tilespmem:s15], [sflag:$0x1] =	stream.linear.gather [hbm4b:s14+s3], $0x200, $0x38;
	[tilespmem:$0x14D80] =	vst v63  }
0xdf: {  	s14 =	sadd.s32 $0x2EE, s12;
	s15 =	sadd.s32 $0x8E50, s13  }
0xe0: {  	[tilespmem:s15], [sflag:$0x1] =	stream.linear.gather [hbm4b:s14+s3], $0x200, $0x38;
	[tilespmem:$0x14D80] =	vst v63  }
0xe1: {  	s14 =	sadd.s32 $0x36B, s12;
	s15 =	sor.u32 $0x9060, s13  }
0xe2: {  	[tilespmem:s15], [sflag:$0x1] =	stream.linear.gather [hbm4b:s14+s3], $0x200, $0x38;
	[tilespmem:$0x14D80] =	vst v63  }
0xe3: {  	v7, _, _ =	vpop (xrf0);
	s14 =	sadd.s32 $0x3E8, s12;
	s15 =	sadd.s32 $0x9270, s13  }
0xe4: {  	(v2sf) =	vpush v7, $0xF;
	[tilespmem:s15], [sflag:$0x1] =	stream.linear.gather [hbm4b:s14+s3], $0x200, $0x38;
	[tilespmem:$0x14D80] =	vst v63  }
0xe5: {  	s14 =	sadd.s32 $0x465, s12;
	s15 =	sor.u32 $0x9480, s13  }
0xe6: {  	[tilespmem:s15], [sflag:$0x1] =	stream.linear.gather [hbm4b:s14+s3], $0x200, $0x38;
	[tilespmem:$0x14D80] =	vst v63  }
0xe7: {  	s14 =	sadd.s32 $0x4E2, s12;
	s15 =	sadd.s32 $0x9690, s13  }
0xe8: {  	[tilespmem:s15], [sflag:$0x1] =	stream.linear.gather [hbm4b:s14+s3], $0x200, $0x38;
	[tilespmem:$0x14D80] =	vst v63  }
0xe9: {  	s14 =	sadd.s32 $0x55F, s12;
	s15 =	sor.u32 $0x98A0, s13  }
0xea: {  	[tilespmem:s15], [sflag:$0x1] =	stream.linear.gather [hbm4b:s14+s3], $0x200, $0x38;
	[tilespmem:$0x14D80] =	vst v63  }
0xeb: {  	s14 =	sadd.s32 $0x5DC, s12;
	s15 =	sadd.s32 $0x9AB0, s13  }
0xec: {  	[tilespmem:s15], [sflag:$0x1] =	stream.linear.gather [hbm4b:s14+s3], $0x200, $0x38;
	[tilespmem:$0x14D80] =	vst v63  }
0xed: {  	s14 =	sadd.s32 $0x659, s12;
	s15 =	sor.u32 $0x9CC0, s13  }
0xee: {  	[tilespmem:s15], [sflag:$0x1] =	stream.linear.gather [hbm4b:s14+s3], $0x200, $0x38;
	[tilespmem:$0x14D80] =	vst v63  }
0xef: {  	s14 =	sadd.s32 $0x6D6, s12;
	s15 =	sadd.s32 $0x9ED0, s13  }
0xf0: {  	[tilespmem:s15], [sflag:$0x1] =	stream.linear.gather [hbm4b:s14+s3], $0x200, $0x38;
	[tilespmem:$0x14D80] =	vst v63  }
0xf1: {  	s12 =	sadd.s32 $0x753, s12;
	s13 =	sadd.s32 $0xA0E0, s13  }
0xf2: {  	[tilespmem:s13], [sflag:$0x1] =	stream.linear.gather [hbm4b:s12+s3], $0x200, $0x38;
	[tilespmem:$0x14D80] =	vst v63  }
0xf3: {  	s12 =	spop (v2sf)  }
0xf4: {  	p0 =	slt.u32 s12, $0x80000001;
	s13 =	sadd.s32 $0x80000001, s12  }
0xf5: {  	p1 =	slt.s32 @!p0 s13, $0x2  }
0xf6: {  	p0 =	por p0, p1  }
.Ltmp3:
0xf7: {  	_ = 	snop;
	(pc) =	sbr.rel @p0 .LBB2_9-.Ltmp3, $1  }
0xf8: {  	_ =	sdelay $0x3  }
0xf9: {  	p1 =	sne.s32 s12, $0x80000001  }
.Ltmp4:
0xfa: {  	_ = 	snop;
	(pc) =	sbr.rel @!p1 .LBB2_8-.Ltmp4, $2  }
0xfb: {  	_ =	sdelay $0x2  }
0xfc: {  	s14 =	simm.s32 $0x1;
	p0 =	por $0x0, $0x0  }
0xfd: {  	vm0 =	veq.s32 v6, s14;
	p1 =	sne.s32 s12, $0x80000002  }
.Ltmp5:
0xfe: {  	v7 =	vnsel vm0, $0x3E8, v5;
	(pc) =	sbr.rel @!p1 .LBB2_8-.Ltmp5, $4  }
0xff: {  	[tilespmem:$0xC4F0] =	vst v7  }
0x100: {  	[spmem:s2] =	stream.indirect.scatter.add.f32 [tilespmem:s11], [sflag:$0x3], $0x210, s31, s30, $0xb8;
	[tilespmem:$0x14D80] =	vst v63  }
0x101: {  	s13 =	simm.s32 $0x80000002;
	_ =	swait.ge [sflag:s21], $0x2100  }
0x102: {  	s14 =	simm.s32 $0x2;
	p0 =	por $0x1, $0x1;
	[sflag:s21] =	ssyncset.done $0x0  }
.LBB2_7:
0x103: {  	vm0 =	veq.s32 v6, s14;
	s14 =	smov.u32 s13;
	s13 =	sadd.s32 $0x1, s13  }
0x104: {  	[sflag:s21] =	ssyncadd.s32 $0xFFFFDF00;
	p1 =	sne.s32 s12, s13  }
.Ltmp6:
0x105: {  	v7 =	vnsel vm0, $0x3E8, v5;
	(pc) =	sbr.rel @p1 .LBB2_7-.Ltmp6, $4  }
0x106: {  	[tilespmem:$0xC4F0] =	vst v7  }
0x107: {  	[spmem:s2] =	stream.indirect.scatter.add.f32 [tilespmem:s11], [sflag:$0x3], $0x210, s31, s30, $0xb8;
	[tilespmem:$0x14D80] =	vst v63  }
0x108: {  	_ =	swait.ge [sflag:s21], $0x2100  }
0x109: {  	s14 =	sadd.s32 $0x80000001, s14;
	[sflag:s21] =	ssyncset.done $0x0  }
.Ltmp7:
0x10a: {  	_ = 	snop;
	(pc) =	sbr.rel .LBB2_8-.Ltmp7, $1  }
0x10b: {  	_ =	sdelay $0x3  }
.LBB2_10:
0x10c: {  	[bflag:$0x0] =	sbarrier.arrive $0xFFFF  }
0x10d: {  	s9 =	rddreg [dreg:$0x6]  }
0x10e: {  	[tilespmem:s24], [sflag:$0x3] =	stream.strided.gather [hbm4b:s9+s22], $0x4000, s23, s22, $0x38;
	[tilespmem:$0x14D80] =	vst v63  }
0x10f: {  	_ =	swait.ge [sflag:s21], $0x4000  }
0x110: {  	[sflag:s21] =	ssyncset.done $0x0  }
0x111: {  	[sflag:s21] =	ssyncadd.s32 $0xFFFFC000  }
0x112: {  	[tilespmem:s25], [sflag:$0x3] =	stream.linear.gather [spmem:s6], $0x4200, $0x38;
	[tilespmem:$0x14D80] =	vst v63  }
0x113: {  	_ =	swait.ge [sflag:s21], $0x4200  }
0x114: {  	[sflag:s21] =	ssyncset.done $0x0  }
0x115: {  	s9 =	simm.s32 $0x0;
	s11 =	rddreg [dreg:$0x7];
	[sflag:s21] =	ssyncadd.s32 $0xFFFFBE00  }
0x116: {  	[tilespmem:s26], [sflag:$0x3] =	stream.linear.gather [hbm4b:s11+s9], $0x100, $0x38;
	[tilespmem:$0x14D80] =	vst v63  }
0x117: {  	_ =	swait.ge [sflag:s21], $0x100  }
0x118: {  	[sflag:s21] =	ssyncset.done $0x0  }
0x119: {  	s15 =	rddreg [dreg:$0x8];
	[sflag:s21] =	ssyncadd.s32 $0xFFFFFF00  }
0x11a: {  	[tilespmem:s28], [sflag:$0x3] =	stream.linear.gather [hbm4b:s15+s9], $0x100, $0x38;
	[tilespmem:$0x14D80] =	vst v63  }
0x11b: {  	_ =	swait.ge [sflag:s21], $0x100  }
0x11c: {  	[sflag:s21] =	ssyncset.done $0x0  }
0x11d: {  	s12 =	simm.s32 $0xCA80;
	s11 =	simm.s32 $0x10A80;
	[sflag:s21] =	ssyncadd.s32 $0xFFFFFF00  }
.LBB2_11:
0x11e: {  	v6 =	vmov s9  }
0x11f: {  	v7 =	vshll.u32 v6, $0x3;
	_ =	sdelay $0x3  }
0x120: {  	v9 =	vld [tilespmem:s11+$0xFFFFFF10];
	v8 =	vmul.u32 $0x210, v6  }
0x121: {  	v5 =	vld.idx.msk [tilespmem:v7+s26+$0x0], $0xffff  }
0x122: {  	v6 =	vld.idx.msk [tilespmem:v7+s28+$0x0], $0xffff  }
0x123: {  	v7 =	vld [tilespmem:s12+$0xFFFFFF00];
	_ =	sdelay $0x2  }
0x124: {  	v8 =	vld.idx.msk [tilespmem:v8+s25+$0x0], $0xffff;
	_ =	sdelay $0x1  }
0x125: {  	v10 =	vmul.f32 v7, v5;
	v9 =	vmul.f32 v9, v6;
	_ =	sdelay $0x1  }
0x126: {  	v9 =	vadd.f32 v9, v10  }
0x127: {  	vm0 =	vgt.f32 v8, $0.0e+00  }
0x128: {  	v7 =	vsel vm0, v9, v7  }
0x129: {  	[tilespmem:s12+$0xFFFFFF00] =	vst v7;
	v7 =	vld [tilespmem:s12+$0xFFFFFF10]  }
0x12a: {  	v55 =	vld [tilespmem:s11+$0xFFFFFF20];
	_ =	sdelay $0x4  }
0x12b: {  	v56 =	vmul.f32 v7, v5;
	v8 =	vmul.f32 v55, v6;
	_ =	sdelay $0x1  }
0x12c: {  	v8 =	vadd.f32 v8, v56;
	_ =	sdelay $0x1  }
0x12d: {  	v7 =	vsel vm0, v8, v7  }
0x12e: {  	[tilespmem:s12+$0xFFFFFF10] =	vst v7;
	v7 =	vld [tilespmem:s12+$0xFFFFFF20]  }
0x12f: {  	v57 =	vld [tilespmem:s11+$0xFFFFFF30];
	_ =	sdelay $0x4  }
0x130: {  	v58 =	vmul.f32 v7, v5;
	v8 =	vmul.f32 v57, v6;
	_ =	sdelay $0x1  }
0x131: {  	v8 =	vadd.f32 v8, v58;
	_ =	sdelay $0x1  }
0x132: {  	v7 =	vsel vm0, v8, v7  }
0x133: {  	[tilespmem:s12+$0xFFFFFF20] =	vst v7;
	v7 =	vld [tilespmem:s12+$0xFFFFFF30]  }
0x134: {  	v59 =	vld [tilespmem:s11+$0xFFFFFF40];
	_ =	sdelay $0x4  }
0x135: {  	v60 =	vmul.f32 v7, v5;
	v8 =	vmul.f32 v59, v6;
	_ =	sdelay $0x1  }
0x136: {  	v8 =	vadd.f32 v8, v60;
	_ =	sdelay $0x1  }
0x137: {  	v7 =	vsel vm0, v8, v7  }
0x138: {  	[tilespmem:s12+$0xFFFFFF30] =	vst v7;
	v7 =	vld [tilespmem:s12+$0xFFFFFF40]  }
0x139: {  	v61 =	vld [tilespmem:s11+$0xFFFFFF50];
	_ =	sdelay $0x4  }
0x13a: {  	v62 =	vmul.f32 v7, v5;
	v8 =	vmul.f32 v61, v6;
	_ =	sdelay $0x1  }
0x13b: {  	v8 =	vadd.f32 v8, v62;
	_ =	sdelay $0x1  }
0x13c: {  	v7 =	vsel vm0, v8, v7  }
0x13d: {  	[tilespmem:s12+$0xFFFFFF40] =	vst v7;
	v7 =	vld [tilespmem:s12+$0xFFFFFF50]  }
0x13e: {  	v63 =	vld [tilespmem:s11+$0xFFFFFF60];
	_ =	sdelay $0x4  }
0x13f: {  	v12 =	vmul.f32 v7, v5;
	v8 =	vmul.f32 v63, v6;
	_ =	sdelay $0x1  }
0x140: {  	v8 =	vadd.f32 v8, v12;
	_ =	sdelay $0x1  }
0x141: {  	v7 =	vsel vm0, v8, v7  }
0x142: {  	[tilespmem:s12+$0xFFFFFF50] =	vst v7;
	v7 =	vld [tilespmem:s12+$0xFFFFFF60]  }
0x143: {  	v13 =	vld [tilespmem:s11+$0xFFFFFF70];
	_ =	sdelay $0x4  }
0x144: {  	v14 =	vmul.f32 v7, v5;
	v8 =	vmul.f32 v13, v6;
	_ =	sdelay $0x1  }
0x145: {  	v8 =	vadd.f32 v8, v14;
	_ =	sdelay $0x1  }
0x146: {  	v7 =	vsel vm0, v8, v7  }
0x147: {  	[tilespmem:s12+$0xFFFFFF60] =	vst v7;
	v7 =	vld [tilespmem:s12+$0xFFFFFF70]  }
0x148: {  	v15 =	vld [tilespmem:s11+$0xFFFFFF80];
	_ =	sdelay $0x4  }
0x149: {  	v16 =	vmul.f32 v7, v5;
	v8 =	vmul.f32 v15, v6;
	_ =	sdelay $0x1  }
0x14a: {  	v8 =	vadd.f32 v8, v16;
	_ =	sdelay $0x1  }
0x14b: {  	v7 =	vsel vm0, v8, v7  }
0x14c: {  	[tilespmem:s12+$0xFFFFFF70] =	vst v7;
	v7 =	vld [tilespmem:s12+$0xFFFFFF80]  }
0x14d: {  	v17 =	vld [tilespmem:s11+$0xFFFFFF90];
	_ =	sdelay $0x4  }
0x14e: {  	v18 =	vmul.f32 v7, v5;
	v8 =	vmul.f32 v17, v6;
	_ =	sdelay $0x1  }
0x14f: {  	v8 =	vadd.f32 v8, v18;
	_ =	sdelay $0x1  }
0x150: {  	v7 =	vsel vm0, v8, v7  }
0x151: {  	[tilespmem:s12+$0xFFFFFF80] =	vst v7;
	v7 =	vld [tilespmem:s12+$0xFFFFFF90]  }
0x152: {  	v19 =	vld [tilespmem:s11+$0xFFFFFFA0];
	_ =	sdelay $0x4  }
0x153: {  	v20 =	vmul.f32 v7, v5;
	v8 =	vmul.f32 v19, v6;
	_ =	sdelay $0x1  }
0x154: {  	v8 =	vadd.f32 v8, v20;
	_ =	sdelay $0x1  }
0x155: {  	v7 =	vsel vm0, v8, v7  }
0x156: {  	[tilespmem:s12+$0xFFFFFF90] =	vst v7;
	v7 =	vld [tilespmem:s12+$0xFFFFFFA0]  }
0x157: {  	v21 =	vld [tilespmem:s11+$0xFFFFFFB0];
	_ =	sdelay $0x4  }
0x158: {  	v22 =	vmul.f32 v7, v5;
	v8 =	vmul.f32 v21, v6;
	_ =	sdelay $0x1  }
0x159: {  	v8 =	vadd.f32 v8, v22;
	_ =	sdelay $0x1  }
0x15a: {  	v7 =	vsel vm0, v8, v7  }
0x15b: {  	[tilespmem:s12+$0xFFFFFFA0] =	vst v7;
	v7 =	vld [tilespmem:s12+$0xFFFFFFB0]  }
0x15c: {  	v23 =	vld [tilespmem:s11+$0xFFFFFFC0];
	_ =	sdelay $0x4  }
0x15d: {  	v24 =	vmul.f32 v7, v5;
	v8 =	vmul.f32 v23, v6;
	_ =	sdelay $0x1  }
0x15e: {  	v8 =	vadd.f32 v8, v24;
	_ =	sdelay $0x1  }
0x15f: {  	v7 =	vsel vm0, v8, v7  }
0x160: {  	[tilespmem:s12+$0xFFFFFFB0] =	vst v7;
	v7 =	vld [tilespmem:s12+$0xFFFFFFC0]  }
0x161: {  	v25 =	vld [tilespmem:s11+$0xFFFFFFD0];
	_ =	sdelay $0x4  }
0x162: {  	v26 =	vmul.f32 v7, v5;
	v8 =	vmul.f32 v25, v6;
	_ =	sdelay $0x1  }
0x163: {  	v8 =	vadd.f32 v8, v26;
	_ =	sdelay $0x1  }
0x164: {  	v7 =	vsel vm0, v8, v7  }
0x165: {  	[tilespmem:s12+$0xFFFFFFC0] =	vst v7;
	v7 =	vld [tilespmem:s12+$0xFFFFFFD0]  }
0x166: {  	v27 =	vld [tilespmem:s11+$0xFFFFFFE0];
	_ =	sdelay $0x4  }
0x167: {  	v28 =	vmul.f32 v7, v5;
	v8 =	vmul.f32 v27, v6;
	_ =	sdelay $0x1  }
0x168: {  	v8 =	vadd.f32 v8, v28;
	_ =	sdelay $0x1  }
0x169: {  	v7 =	vsel vm0, v8, v7  }
0x16a: {  	[tilespmem:s12+$0xFFFFFFD0] =	vst v7;
	v7 =	vld [tilespmem:s12+$0xFFFFFFE0]  }
0x16b: {  	v29 =	vld [tilespmem:s11+$0xFFFFFFF0];
	_ =	sdelay $0x4  }
0x16c: {  	v30 =	vmul.f32 v7, v5;
	v8 =	vmul.f32 v29, v6;
	_ =	sdelay $0x1  }
0x16d: {  	v8 =	vadd.f32 v8, v30;
	_ =	sdelay $0x1  }
0x16e: {  	v7 =	vsel vm0, v8, v7  }
0x16f: {  	[tilespmem:s12+$0xFFFFFFE0] =	vst v7;
	v7 =	vld [tilespmem:s12+$0xFFFFFFF0]  }
0x170: {  	v31 =	vld [tilespmem:s11+$0x0];
	_ =	sdelay $0x4  }
0x171: {  	v32 =	vmul.f32 v7, v5;
	v8 =	vmul.f32 v31, v6;
	_ =	sdelay $0x1  }
0x172: {  	v8 =	vadd.f32 v8, v32;
	_ =	sdelay $0x1  }
0x173: {  	v7 =	vsel vm0, v8, v7  }
0x174: {  	[tilespmem:s12+$0xFFFFFFF0] =	vst v7;
	v7 =	vld [tilespmem:s12+$0x0]  }
0x175: {  	v33 =	vld [tilespmem:s11+$0x10];
	_ =	sdelay $0x4  }
0x176: {  	v34 =	vmul.f32 v7, v5;
	v8 =	vmul.f32 v33, v6;
	_ =	sdelay $0x1  }
0x177: {  	v8 =	vadd.f32 v8, v34;
	_ =	sdelay $0x1  }
0x178: {  	v7 =	vsel vm0, v8, v7  }
0x179: {  	[tilespmem:s12+$0x0] =	vst v7;
	v7 =	vld [tilespmem:s12+$0x10]  }
0x17a: {  	v35 =	vld [tilespmem:s11+$0x20];
	_ =	sdelay $0x4  }
0x17b: {  	v36 =	vmul.f32 v7, v5;
	v8 =	vmul.f32 v35, v6;
	_ =	sdelay $0x1  }
0x17c: {  	v8 =	vadd.f32 v8, v36;
	_ =	sdelay $0x1  }
0x17d: {  	v7 =	vsel vm0, v8, v7  }
0x17e: {  	[tilespmem:s12+$0x10] =	vst v7;
	v7 =	vld [tilespmem:s12+$0x20]  }
0x17f: {  	v37 =	vld [tilespmem:s11+$0x30];
	_ =	sdelay $0x4  }
0x180: {  	v38 =	vmul.f32 v7, v5;
	v8 =	vmul.f32 v37, v6;
	_ =	sdelay $0x1  }
0x181: {  	v8 =	vadd.f32 v8, v38;
	_ =	sdelay $0x1  }
0x182: {  	v7 =	vsel vm0, v8, v7  }
0x183: {  	[tilespmem:s12+$0x20] =	vst v7;
	v7 =	vld [tilespmem:s12+$0x30]  }
0x184: {  	v39 =	vld [tilespmem:s11+$0x40];
	_ =	sdelay $0x4  }
0x185: {  	v40 =	vmul.f32 v7, v5;
	v8 =	vmul.f32 v39, v6;
	_ =	sdelay $0x1  }
0x186: {  	v8 =	vadd.f32 v8, v40;
	_ =	sdelay $0x1  }
0x187: {  	v7 =	vsel vm0, v8, v7  }
0x188: {  	[tilespmem:s12+$0x30] =	vst v7;
	v7 =	vld [tilespmem:s12+$0x40]  }
0x189: {  	v41 =	vld [tilespmem:s11+$0x50];
	_ =	sdelay $0x4  }
0x18a: {  	v42 =	vmul.f32 v7, v5;
	v8 =	vmul.f32 v41, v6;
	_ =	sdelay $0x1  }
0x18b: {  	v8 =	vadd.f32 v8, v42;
	_ =	sdelay $0x1  }
0x18c: {  	v7 =	vsel vm0, v8, v7  }
0x18d: {  	[tilespmem:s12+$0x40] =	vst v7;
	v7 =	vld [tilespmem:s12+$0x50]  }
0x18e: {  	v43 =	vld [tilespmem:s11+$0x60];
	_ =	sdelay $0x4  }
0x18f: {  	v44 =	vmul.f32 v7, v5;
	v8 =	vmul.f32 v43, v6;
	_ =	sdelay $0x1  }
0x190: {  	v8 =	vadd.f32 v8, v44;
	_ =	sdelay $0x1  }
0x191: {  	v7 =	vsel vm0, v8, v7  }
0x192: {  	[tilespmem:s12+$0x50] =	vst v7;
	v7 =	vld [tilespmem:s12+$0x60]  }
0x193: {  	v45 =	vld [tilespmem:s11+$0x70];
	_ =	sdelay $0x4  }
0x194: {  	v46 =	vmul.f32 v7, v5;
	v8 =	vmul.f32 v45, v6;
	_ =	sdelay $0x1  }
0x195: {  	v8 =	vadd.f32 v8, v46;
	_ =	sdelay $0x1  }
0x196: {  	v7 =	vsel vm0, v8, v7  }
0x197: {  	[tilespmem:s12+$0x60] =	vst v7;
	v7 =	vld [tilespmem:s12+$0x70]  }
0x198: {  	v47 =	vld [tilespmem:s11+$0x80];
	_ =	sdelay $0x4  }
0x199: {  	v48 =	vmul.f32 v7, v5;
	v8 =	vmul.f32 v47, v6;
	_ =	sdelay $0x1  }
0x19a: {  	v8 =	vadd.f32 v8, v48;
	_ =	sdelay $0x1  }
0x19b: {  	v7 =	vsel vm0, v8, v7  }
0x19c: {  	[tilespmem:s12+$0x70] =	vst v7;
	v7 =	vld [tilespmem:s12+$0x80]  }
0x19d: {  	v49 =	vld [tilespmem:s11+$0x90];
	_ =	sdelay $0x4  }
0x19e: {  	v50 =	vmul.f32 v7, v5;
	v8 =	vmul.f32 v49, v6;
	_ =	sdelay $0x1  }
0x19f: {  	v8 =	vadd.f32 v8, v50;
	_ =	sdelay $0x1  }
0x1a0: {  	v7 =	vsel vm0, v8, v7  }
0x1a1: {  	[tilespmem:s12+$0x80] =	vst v7;
	v7 =	vld [tilespmem:s12+$0x90]  }
0x1a2: {  	v51 =	vld [tilespmem:s11+$0xA0];
	_ =	sdelay $0x4  }
0x1a3: {  	v52 =	vmul.f32 v7, v5;
	v8 =	vmul.f32 v51, v6;
	_ =	sdelay $0x1  }
0x1a4: {  	v8 =	vadd.f32 v8, v52;
	_ =	sdelay $0x1  }
0x1a5: {  	v7 =	vsel vm0, v8, v7  }
0x1a6: {  	[tilespmem:s12+$0x90] =	vst v7;
	v7 =	vld [tilespmem:s12+$0xA0]  }
0x1a7: {  	v53 =	vld [tilespmem:s11+$0xB0];
	_ =	sdelay $0x4  }
0x1a8: {  	v54 =	vmul.f32 v7, v5;
	v8 =	vmul.f32 v53, v6;
	_ =	sdelay $0x1  }
0x1a9: {  	v8 =	vadd.f32 v8, v54;
	_ =	sdelay $0x1  }
0x1aa: {  	v7 =	vsel vm0, v8, v7  }
0x1ab: {  	[tilespmem:s12+$0xA0] =	vst v7;
	v7 =	vld [tilespmem:s12+$0xB0]  }
0x1ac: {  	v55 =	vld [tilespmem:s11+$0xC0];
	_ =	sdelay $0x4  }
0x1ad: {  	v56 =	vmul.f32 v7, v5;
	v8 =	vmul.f32 v55, v6;
	_ =	sdelay $0x1  }
0x1ae: {  	v8 =	vadd.f32 v8, v56;
	_ =	sdelay $0x1  }
0x1af: {  	v7 =	vsel vm0, v8, v7  }
0x1b0: {  	[tilespmem:s12+$0xB0] =	vst v7;
	v7 =	vld [tilespmem:s12+$0xC0]  }
0x1b1: {  	v57 =	vld [tilespmem:s11+$0xD0];
	_ =	sdelay $0x4  }
0x1b2: {  	v58 =	vmul.f32 v7, v5;
	v8 =	vmul.f32 v57, v6;
	_ =	sdelay $0x1  }
0x1b3: {  	v8 =	vadd.f32 v8, v58;
	_ =	sdelay $0x1  }
0x1b4: {  	v7 =	vsel vm0, v8, v7  }
0x1b5: {  	[tilespmem:s12+$0xC0] =	vst v7;
	v7 =	vld [tilespmem:s12+$0xD0]  }
0x1b6: {  	v59 =	vld [tilespmem:s11+$0xE0];
	_ =	sdelay $0x4  }
0x1b7: {  	v60 =	vmul.f32 v7, v5;
	v8 =	vmul.f32 v59, v6;
	_ =	sdelay $0x1  }
0x1b8: {  	v8 =	vadd.f32 v8, v60;
	_ =	sdelay $0x1  }
0x1b9: {  	v7 =	vsel vm0, v8, v7  }
0x1ba: {  	[tilespmem:s12+$0xD0] =	vst v7;
	v7 =	vld [tilespmem:s12+$0xE0]  }
0x1bb: {  	v61 =	vld [tilespmem:s11+$0xF0];
	_ =	sdelay $0x4  }
0x1bc: {  	v62 =	vmul.f32 v7, v5;
	v8 =	vmul.f32 v61, v6;
	_ =	sdelay $0x1  }
0x1bd: {  	v8 =	vadd.f32 v8, v62;
	_ =	sdelay $0x1  }
0x1be: {  	v7 =	vsel vm0, v8, v7  }
0x1bf: {  	[tilespmem:s12+$0xE0] =	vst v7;
	v7 =	vld [tilespmem:s12+$0xF0]  }
0x1c0: {  	v63 =	vld [tilespmem:s11+$0x100];
	_ =	sdelay $0x4  }
0x1c1: {  	p0 =	sne.s32 s9, $0x1F;
	v5 =	vmul.f32 v7, v5;
	v6 =	vmul.f32 v63, v6  }
.Ltmp8:
0x1c2: {  	_ = 	snop;
	(pc) =	sbr.rel @p0 .LBB2_11-.Ltmp8, $3  }
0x1c3: {  	v5 =	vadd.f32 v6, v5;
	_ =	sdelay $0x1  }
0x1c4: {  	v5 =	vsel vm0, v5, v7  }
0x1c5: {  	s9 =	sadd.s32 $0x1, s9;
	s11 =	sadd.s32 $0x210, s11;
	[tilespmem:s12+$0xF0] =	vst v5;
	s12 =	sadd.s32 $0x200, s12  }
0x1c6: {  	s9 =	rddreg [dreg:$0x9]  }
0x1c7: {  	[hbm4b:s9+s22] =	stream.strided.scatter [tilespmem:s24], [sflag:$0x3], $0x4000, s23, s22, $0x38;
	[tilespmem:$0x14D80] =	vst v63  }
0x1c8: {  	_ =	swait.ge [sflag:s21], $0x4000  }
0x1c9: {  	[sflag:s21] =	ssyncset.done $0x0  }
0x1ca: {  	s15 =	rddreg [dreg:$0xa];
	[sflag:s21] =	ssyncadd.s32 $0xFFFFC000  }
0x1cb: {  	[tilespmem:s24], [sflag:$0x3] =	stream.strided.gather [hbm4b:s15+s22], $0x4000, s23, s22, $0x38;
	[tilespmem:$0x14D80] =	vst v63  }
0x1cc: {  	_ =	swait.ge [sflag:s21], $0x4000  }
0x1cd: {  	[sflag:s21] =	ssyncset.done $0x0  }
0x1ce: {  	[sflag:s21] =	ssyncadd.s32 $0xFFFFC000  }
0x1cf: {  	[tilespmem:s25], [sflag:$0x3] =	stream.linear.gather [spmem:s7], $0x4200, $0x38;
	[tilespmem:$0x14D80] =	vst v63  }
0x1d0: {  	_ =	swait.ge [sflag:s21], $0x4200  }
0x1d1: {  	[sflag:s21] =	ssyncset.done $0x0  }
0x1d2: {  	s9 =	simm.s32 $0x0;
	[sflag:s21] =	ssyncadd.s32 $0xFFFFBE00  }
0x1d3: {  	[tilespmem:s26], [sflag:$0x3] =	stream.linear.gather [hbm4b:s16+s9], $0x100, $0x38;
	[tilespmem:$0x14D80] =	vst v63  }
0x1d4: {  	_ =	swait.ge [sflag:s21], $0x100  }
0x1d5: {  	[sflag:s21] =	ssyncset.done $0x0  }
0x1d6: {  	[sflag:s21] =	ssyncadd.s32 $0xFFFFFF00  }
0x1d7: {  	[tilespmem:s28], [sflag:$0x3] =	stream.linear.gather [hbm4b:s17+s9], $0x100, $0x38;
	[tilespmem:$0x14D80] =	vst v63  }
0x1d8: {  	_ =	swait.ge [sflag:s21], $0x100  }
0x1d9: {  	[sflag:s21] =	ssyncset.done $0x0  }
0x1da: {  	s11 =	simm.s32 $0x10A80;
	s12 =	simm.s32 $0xCA80;
	[sflag:s21] =	ssyncadd.s32 $0xFFFFFF00  }
.LBB2_13:
0x1db: {  	v6 =	vmov s9  }
0x1dc: {  	v7 =	vshll.u32 v6, $0x3;
	_ =	sdelay $0x3  }
0x1dd: {  	v9 =	vld [tilespmem:s11+$0xFFFFFF10];
	v8 =	vmul.u32 $0x210, v6  }
0x1de: {  	v5 =	vld.idx.msk [tilespmem:v7+s26+$0x0], $0xffff  }
0x1df: {  	v6 =	vld.idx.msk [tilespmem:v7+s28+$0x0], $0xffff  }
0x1e0: {  	v7 =	vld [tilespmem:s12+$0xFFFFFF00];
	_ =	sdelay $0x2  }
0x1e1: {  	v8 =	vld.idx.msk [tilespmem:v8+s25+$0x0], $0xffff;
	_ =	sdelay $0x1  }
0x1e2: {  	v10 =	vmul.f32 v7, v5;
	v9 =	vmul.f32 v9, v6;
	_ =	sdelay $0x1  }
0x1e3: {  	v9 =	vadd.f32 v9, v10  }
0x1e4: {  	vm0 =	vgt.f32 v8, $0.0e+00  }
0x1e5: {  	v7 =	vsel vm0, v9, v7  }
0x1e6: {  	[tilespmem:s12+$0xFFFFFF00] =	vst v7;
	v7 =	vld [tilespmem:s12+$0xFFFFFF10]  }
0x1e7: {  	v55 =	vld [tilespmem:s11+$0xFFFFFF20];
	_ =	sdelay $0x4  }
0x1e8: {  	v56 =	vmul.f32 v7, v5;
	v8 =	vmul.f32 v55, v6;
	_ =	sdelay $0x1  }
0x1e9: {  	v8 =	vadd.f32 v8, v56;
	_ =	sdelay $0x1  }
0x1ea: {  	v7 =	vsel vm0, v8, v7  }
0x1eb: {  	[tilespmem:s12+$0xFFFFFF10] =	vst v7;
	v7 =	vld [tilespmem:s12+$0xFFFFFF20]  }
0x1ec: {  	v57 =	vld [tilespmem:s11+$0xFFFFFF30];
	_ =	sdelay $0x4  }
0x1ed: {  	v58 =	vmul.f32 v7, v5;
	v8 =	vmul.f32 v57, v6;
	_ =	sdelay $0x1  }
0x1ee: {  	v8 =	vadd.f32 v8, v58;
	_ =	sdelay $0x1  }
0x1ef: {  	v7 =	vsel vm0, v8, v7  }
0x1f0: {  	[tilespmem:s12+$0xFFFFFF20] =	vst v7;
	v7 =	vld [tilespmem:s12+$0xFFFFFF30]  }
0x1f1: {  	v59 =	vld [tilespmem:s11+$0xFFFFFF40];
	_ =	sdelay $0x4  }
0x1f2: {  	v60 =	vmul.f32 v7, v5;
	v8 =	vmul.f32 v59, v6;
	_ =	sdelay $0x1  }
0x1f3: {  	v8 =	vadd.f32 v8, v60;
	_ =	sdelay $0x1  }
0x1f4: {  	v7 =	vsel vm0, v8, v7  }
0x1f5: {  	[tilespmem:s12+$0xFFFFFF30] =	vst v7;
	v7 =	vld [tilespmem:s12+$0xFFFFFF40]  }
0x1f6: {  	v61 =	vld [tilespmem:s11+$0xFFFFFF50];
	_ =	sdelay $0x4  }
0x1f7: {  	v62 =	vmul.f32 v7, v5;
	v8 =	vmul.f32 v61, v6;
	_ =	sdelay $0x1  }
0x1f8: {  	v8 =	vadd.f32 v8, v62;
	_ =	sdelay $0x1  }
0x1f9: {  	v7 =	vsel vm0, v8, v7  }
0x1fa: {  	[tilespmem:s12+$0xFFFFFF40] =	vst v7;
	v7 =	vld [tilespmem:s12+$0xFFFFFF50]  }
0x1fb: {  	v63 =	vld [tilespmem:s11+$0xFFFFFF60];
	_ =	sdelay $0x4  }
0x1fc: {  	v12 =	vmul.f32 v7, v5;
	v8 =	vmul.f32 v63, v6;
	_ =	sdelay $0x1  }
0x1fd: {  	v8 =	vadd.f32 v8, v12;
	_ =	sdelay $0x1  }
0x1fe: {  	v7 =	vsel vm0, v8, v7  }
0x1ff: {  	[tilespmem:s12+$0xFFFFFF50] =	vst v7;
	v7 =	vld [tilespmem:s12+$0xFFFFFF60]  }
0x200: {  	v13 =	vld [tilespmem:s11+$0xFFFFFF70];
	_ =	sdelay $0x4  }
0x201: {  	v14 =	vmul.f32 v7, v5;
	v8 =	vmul.f32 v13, v6;
	_ =	sdelay $0x1  }
0x202: {  	v8 =	vadd.f32 v8, v14;
	_ =	sdelay $0x1  }
0x203: {  	v7 =	vsel vm0, v8, v7  }
0x204: {  	[tilespmem:s12+$0xFFFFFF60] =	vst v7;
	v7 =	vld [tilespmem:s12+$0xFFFFFF70]  }
0x205: {  	v15 =	vld [tilespmem:s11+$0xFFFFFF80];
	_ =	sdelay $0x4  }
0x206: {  	v16 =	vmul.f32 v7, v5;
	v8 =	vmul.f32 v15, v6;
	_ =	sdelay $0x1  }
0x207: {  	v8 =	vadd.f32 v8, v16;
	_ =	sdelay $0x1  }
0x208: {  	v7 =	vsel vm0, v8, v7  }
0x209: {  	[tilespmem:s12+$0xFFFFFF70] =	vst v7;
	v7 =	vld [tilespmem:s12+$0xFFFFFF80]  }
0x20a: {  	v17 =	vld [tilespmem:s11+$0xFFFFFF90];
	_ =	sdelay $0x4  }
0x20b: {  	v18 =	vmul.f32 v7, v5;
	v8 =	vmul.f32 v17, v6;
	_ =	sdelay $0x1  }
0x20c: {  	v8 =	vadd.f32 v8, v18;
	_ =	sdelay $0x1  }
0x20d: {  	v7 =	vsel vm0, v8, v7  }
0x20e: {  	[tilespmem:s12+$0xFFFFFF80] =	vst v7;
	v7 =	vld [tilespmem:s12+$0xFFFFFF90]  }
0x20f: {  	v19 =	vld [tilespmem:s11+$0xFFFFFFA0];
	_ =	sdelay $0x4  }
0x210: {  	v20 =	vmul.f32 v7, v5;
	v8 =	vmul.f32 v19, v6;
	_ =	sdelay $0x1  }
0x211: {  	v8 =	vadd.f32 v8, v20;
	_ =	sdelay $0x1  }
0x212: {  	v7 =	vsel vm0, v8, v7  }
0x213: {  	[tilespmem:s12+$0xFFFFFF90] =	vst v7;
	v7 =	vld [tilespmem:s12+$0xFFFFFFA0]  }
0x214: {  	v21 =	vld [tilespmem:s11+$0xFFFFFFB0];
	_ =	sdelay $0x4  }
0x215: {  	v22 =	vmul.f32 v7, v5;
	v8 =	vmul.f32 v21, v6;
	_ =	sdelay $0x1  }
0x216: {  	v8 =	vadd.f32 v8, v22;
	_ =	sdelay $0x1  }
0x217: {  	v7 =	vsel vm0, v8, v7  }
0x218: {  	[tilespmem:s12+$0xFFFFFFA0] =	vst v7;
	v7 =	vld [tilespmem:s12+$0xFFFFFFB0]  }
0x219: {  	v23 =	vld [tilespmem:s11+$0xFFFFFFC0];
	_ =	sdelay $0x4  }
0x21a: {  	v24 =	vmul.f32 v7, v5;
	v8 =	vmul.f32 v23, v6;
	_ =	sdelay $0x1  }
0x21b: {  	v8 =	vadd.f32 v8, v24;
	_ =	sdelay $0x1  }
0x21c: {  	v7 =	vsel vm0, v8, v7  }
0x21d: {  	[tilespmem:s12+$0xFFFFFFB0] =	vst v7;
	v7 =	vld [tilespmem:s12+$0xFFFFFFC0]  }
0x21e: {  	v25 =	vld [tilespmem:s11+$0xFFFFFFD0];
	_ =	sdelay $0x4  }
0x21f: {  	v26 =	vmul.f32 v7, v5;
	v8 =	vmul.f32 v25, v6;
	_ =	sdelay $0x1  }
0x220: {  	v8 =	vadd.f32 v8, v26;
	_ =	sdelay $0x1  }
0x221: {  	v7 =	vsel vm0, v8, v7  }
0x222: {  	[tilespmem:s12+$0xFFFFFFC0] =	vst v7;
	v7 =	vld [tilespmem:s12+$0xFFFFFFD0]  }
0x223: {  	v27 =	vld [tilespmem:s11+$0xFFFFFFE0];
	_ =	sdelay $0x4  }
0x224: {  	v28 =	vmul.f32 v7, v5;
	v8 =	vmul.f32 v27, v6;
	_ =	sdelay $0x1  }
0x225: {  	v8 =	vadd.f32 v8, v28;
	_ =	sdelay $0x1  }
0x226: {  	v7 =	vsel vm0, v8, v7  }
0x227: {  	[tilespmem:s12+$0xFFFFFFD0] =	vst v7;
	v7 =	vld [tilespmem:s12+$0xFFFFFFE0]  }
0x228: {  	v29 =	vld [tilespmem:s11+$0xFFFFFFF0];
	_ =	sdelay $0x4  }
0x229: {  	v30 =	vmul.f32 v7, v5;
	v8 =	vmul.f32 v29, v6;
	_ =	sdelay $0x1  }
0x22a: {  	v8 =	vadd.f32 v8, v30;
	_ =	sdelay $0x1  }
0x22b: {  	v7 =	vsel vm0, v8, v7  }
0x22c: {  	[tilespmem:s12+$0xFFFFFFE0] =	vst v7;
	v7 =	vld [tilespmem:s12+$0xFFFFFFF0]  }
0x22d: {  	v31 =	vld [tilespmem:s11+$0x0];
	_ =	sdelay $0x4  }
0x22e: {  	v32 =	vmul.f32 v7, v5;
	v8 =	vmul.f32 v31, v6;
	_ =	sdelay $0x1  }
0x22f: {  	v8 =	vadd.f32 v8, v32;
	_ =	sdelay $0x1  }
0x230: {  	v7 =	vsel vm0, v8, v7  }
0x231: {  	[tilespmem:s12+$0xFFFFFFF0] =	vst v7;
	v7 =	vld [tilespmem:s12+$0x0]  }
0x232: {  	v33 =	vld [tilespmem:s11+$0x10];
	_ =	sdelay $0x4  }
0x233: {  	v34 =	vmul.f32 v7, v5;
	v8 =	vmul.f32 v33, v6;
	_ =	sdelay $0x1  }
0x234: {  	v8 =	vadd.f32 v8, v34;
	_ =	sdelay $0x1  }
0x235: {  	v7 =	vsel vm0, v8, v7  }
0x236: {  	[tilespmem:s12+$0x0] =	vst v7;
	v7 =	vld [tilespmem:s12+$0x10]  }
0x237: {  	v35 =	vld [tilespmem:s11+$0x20];
	_ =	sdelay $0x4  }
0x238: {  	v36 =	vmul.f32 v7, v5;
	v8 =	vmul.f32 v35, v6;
	_ =	sdelay $0x1  }
0x239: {  	v8 =	vadd.f32 v8, v36;
	_ =	sdelay $0x1  }
0x23a: {  	v7 =	vsel vm0, v8, v7  }
0x23b: {  	[tilespmem:s12+$0x10] =	vst v7;
	v7 =	vld [tilespmem:s12+$0x20]  }
0x23c: {  	v37 =	vld [tilespmem:s11+$0x30];
	_ =	sdelay $0x4  }
0x23d: {  	v38 =	vmul.f32 v7, v5;
	v8 =	vmul.f32 v37, v6;
	_ =	sdelay $0x1  }
0x23e: {  	v8 =	vadd.f32 v8, v38;
	_ =	sdelay $0x1  }
0x23f: {  	v7 =	vsel vm0, v8, v7  }
0x240: {  	[tilespmem:s12+$0x20] =	vst v7;
	v7 =	vld [tilespmem:s12+$0x30]  }
0x241: {  	v39 =	vld [tilespmem:s11+$0x40];
	_ =	sdelay $0x4  }
0x242: {  	v40 =	vmul.f32 v7, v5;
	v8 =	vmul.f32 v39, v6;
	_ =	sdelay $0x1  }
0x243: {  	v8 =	vadd.f32 v8, v40;
	_ =	sdelay $0x1  }
0x244: {  	v7 =	vsel vm0, v8, v7  }
0x245: {  	[tilespmem:s12+$0x30] =	vst v7;
	v7 =	vld [tilespmem:s12+$0x40]  }
0x246: {  	v41 =	vld [tilespmem:s11+$0x50];
	_ =	sdelay $0x4  }
0x247: {  	v42 =	vmul.f32 v7, v5;
	v8 =	vmul.f32 v41, v6;
	_ =	sdelay $0x1  }
0x248: {  	v8 =	vadd.f32 v8, v42;
	_ =	sdelay $0x1  }
0x249: {  	v7 =	vsel vm0, v8, v7  }
0x24a: {  	[tilespmem:s12+$0x40] =	vst v7;
	v7 =	vld [tilespmem:s12+$0x50]  }
0x24b: {  	v43 =	vld [tilespmem:s11+$0x60];
	_ =	sdelay $0x4  }
0x24c: {  	v44 =	vmul.f32 v7, v5;
	v8 =	vmul.f32 v43, v6;
	_ =	sdelay $0x1  }
0x24d: {  	v8 =	vadd.f32 v8, v44;
	_ =	sdelay $0x1  }
0x24e: {  	v7 =	vsel vm0, v8, v7  }
0x24f: {  	[tilespmem:s12+$0x50] =	vst v7;
	v7 =	vld [tilespmem:s12+$0x60]  }
0x250: {  	v45 =	vld [tilespmem:s11+$0x70];
	_ =	sdelay $0x4  }
0x251: {  	v46 =	vmul.f32 v7, v5;
	v8 =	vmul.f32 v45, v6;
	_ =	sdelay $0x1  }
0x252: {  	v8 =	vadd.f32 v8, v46;
	_ =	sdelay $0x1  }
0x253: {  	v7 =	vsel vm0, v8, v7  }
0x254: {  	[tilespmem:s12+$0x60] =	vst v7;
	v7 =	vld [tilespmem:s12+$0x70]  }
0x255: {  	v47 =	vld [tilespmem:s11+$0x80];
	_ =	sdelay $0x4  }
0x256: {  	v48 =	vmul.f32 v7, v5;
	v8 =	vmul.f32 v47, v6;
	_ =	sdelay $0x1  }
0x257: {  	v8 =	vadd.f32 v8, v48;
	_ =	sdelay $0x1  }
0x258: {  	v7 =	vsel vm0, v8, v7  }
0x259: {  	[tilespmem:s12+$0x70] =	vst v7;
	v7 =	vld [tilespmem:s12+$0x80]  }
0x25a: {  	v49 =	vld [tilespmem:s11+$0x90];
	_ =	sdelay $0x4  }
0x25b: {  	v50 =	vmul.f32 v7, v5;
	v8 =	vmul.f32 v49, v6;
	_ =	sdelay $0x1  }
0x25c: {  	v8 =	vadd.f32 v8, v50;
	_ =	sdelay $0x1  }
0x25d: {  	v7 =	vsel vm0, v8, v7  }
0x25e: {  	[tilespmem:s12+$0x80] =	vst v7;
	v7 =	vld [tilespmem:s12+$0x90]  }
0x25f: {  	v51 =	vld [tilespmem:s11+$0xA0];
	_ =	sdelay $0x4  }
0x260: {  	v52 =	vmul.f32 v7, v5;
	v8 =	vmul.f32 v51, v6;
	_ =	sdelay $0x1  }
0x261: {  	v8 =	vadd.f32 v8, v52;
	_ =	sdelay $0x1  }
0x262: {  	v7 =	vsel vm0, v8, v7  }
0x263: {  	[tilespmem:s12+$0x90] =	vst v7;
	v7 =	vld [tilespmem:s12+$0xA0]  }
0x264: {  	v53 =	vld [tilespmem:s11+$0xB0];
	_ =	sdelay $0x4  }
0x265: {  	v54 =	vmul.f32 v7, v5;
	v8 =	vmul.f32 v53, v6;
	_ =	sdelay $0x1  }
0x266: {  	v8 =	vadd.f32 v8, v54;
	_ =	sdelay $0x1  }
0x267: {  	v7 =	vsel vm0, v8, v7  }
0x268: {  	[tilespmem:s12+$0xA0] =	vst v7;
	v7 =	vld [tilespmem:s12+$0xB0]  }
0x269: {  	v55 =	vld [tilespmem:s11+$0xC0];
	_ =	sdelay $0x4  }
0x26a: {  	v56 =	vmul.f32 v7, v5;
	v8 =	vmul.f32 v55, v6;
	_ =	sdelay $0x1  }
0x26b: {  	v8 =	vadd.f32 v8, v56;
	_ =	sdelay $0x1  }
0x26c: {  	v7 =	vsel vm0, v8, v7  }
0x26d: {  	[tilespmem:s12+$0xB0] =	vst v7;
	v7 =	vld [tilespmem:s12+$0xC0]  }
0x26e: {  	v57 =	vld [tilespmem:s11+$0xD0];
	_ =	sdelay $0x4  }
0x26f: {  	v58 =	vmul.f32 v7, v5;
	v8 =	vmul.f32 v57, v6;
	_ =	sdelay $0x1  }
0x270: {  	v8 =	vadd.f32 v8, v58;
	_ =	sdelay $0x1  }
0x271: {  	v7 =	vsel vm0, v8, v7  }
0x272: {  	[tilespmem:s12+$0xC0] =	vst v7;
	v7 =	vld [tilespmem:s12+$0xD0]  }
0x273: {  	v59 =	vld [tilespmem:s11+$0xE0];
	_ =	sdelay $0x4  }
0x274: {  	v60 =	vmul.f32 v7, v5;
	v8 =	vmul.f32 v59, v6;
	_ =	sdelay $0x1  }
0x275: {  	v8 =	vadd.f32 v8, v60;
	_ =	sdelay $0x1  }
0x276: {  	v7 =	vsel vm0, v8, v7  }
0x277: {  	[tilespmem:s12+$0xD0] =	vst v7;
	v7 =	vld [tilespmem:s12+$0xE0]  }
0x278: {  	v61 =	vld [tilespmem:s11+$0xF0];
	_ =	sdelay $0x4  }
0x279: {  	v62 =	vmul.f32 v7, v5;
	v8 =	vmul.f32 v61, v6;
	_ =	sdelay $0x1  }
0x27a: {  	v8 =	vadd.f32 v8, v62;
	_ =	sdelay $0x1  }
0x27b: {  	v7 =	vsel vm0, v8, v7  }
0x27c: {  	[tilespmem:s12+$0xE0] =	vst v7;
	v7 =	vld [tilespmem:s12+$0xF0]  }
0x27d: {  	v63 =	vld [tilespmem:s11+$0x100];
	_ =	sdelay $0x4  }
0x27e: {  	p0 =	sne.s32 s9, $0x1F;
	v5 =	vmul.f32 v7, v5;
	v6 =	vmul.f32 v63, v6  }
.Ltmp9:
0x27f: {  	_ = 	snop;
	(pc) =	sbr.rel @p0 .LBB2_13-.Ltmp9, $3  }
0x280: {  	v5 =	vadd.f32 v6, v5;
	_ =	sdelay $0x1  }
0x281: {  	v5 =	vsel vm0, v5, v7  }
0x282: {  	s9 =	sadd.s32 $0x1, s9;
	s11 =	sadd.s32 $0x210, s11;
	[tilespmem:s12+$0xF0] =	vst v5;
	s12 =	sadd.s32 $0x200, s12  }
0x283: {  	s20 =	sadd.s32 $0x1, s20  }
0x284: {  	p0 =	sne.s32 s20, s19  }
.Ltmp10:
0x285: {  	_ = 	snop;
	(pc) =	sbr.rel @p0 .LBB2_1-.Ltmp10, $4  }
0x286: {  	[hbm4b:s18+s22] =	stream.strided.scatter [tilespmem:s24], [sflag:$0x3], $0x4000, s23, s22, $0x38;
	[tilespmem:$0x14D80] =	vst v63  }
0x287: {  	_ =	swait.ge [sflag:s21], $0x4000  }
0x288: {  	[sflag:s21] =	ssyncset.done $0x0  }
0x289: {  	[sflag:s21] =	ssyncadd.s32 $0xFFFFC000  }
0x28a: {  	_ =	sfence.sel $0x180000  }
0x28b: {  	[bflag:$0x0] =	sbarrier.arrive $0xFFFF  }
0x28c: {  	_ =	strace $0x90000047  }
0x28d: {  	s0 =	stileid.u32;
	[bflag:$0x2] =	sbarrier.arrive $0xFFFF  }
0x28e: {  	p0 =	sne.s32 s0, $0x0;
	s0 =	rddreg [dreg:$0x4]  }
0x28f: {  	s0 =	sadd.s32 @!p0 $0x100000, s0  }
0x290: {  	[sflag:s0] =	ssyncadd.tile.s32 @!p0 $0x1;
	_ =	shalt  }
.Lfunc_end2:
_tile_overlayer_lowered:
.L_overlay_start_2:
0x291: {  	(tag) =	ssettag $0x2  }
0x292: {  	s0 =	rddreg [dreg:$0x0];
	s2 =	stileid.u32  }
0x293: {  	s1 =	rddreg [dreg:$0x1];
	p0 =	sne.s32 s2, $0x0  }
0x294: {  	s3 =	rddreg [dreg:$0x2];
	[bflag:$0x3] =	sbarrier.arrive $0xFFFF;
	s2 =	simm.s32 @!p0 $0x1C03  }
0x295: {  	[timem:s3], [sflag:s2] =	dma.local @!p0 [hbm:s0], s1  }
0x296: {  	s0 =	simm.s32 @!p0 $0x3  }
0x297: {  	_ =	swait.ge @!p0 [sflag:s0], s1  }
0x298: {  	s1 =	ssub.s32 @!p0 $0x0, s1;
	[sflag:s0] =	ssyncset.done @!p0 $0x0  }
0x299: {  	[sflag:s0] =	ssyncadd.s32 @!p0 s1  }
0x29a: {  	[bflag:$0x3] =	sbarrier.arrive $0xFFFF  }
0x29b: {  	_ =	shalt  }

</sc_bundles>
